<compile_context>
chip_gen: v7x
topology: tpu7x:2x2x1
jax: 0.10.2.dev20260603
libtpu: 0.0.44.dev20260713+nightly
codegen_flags: <defaults>
</compile_context>

<pallas_src>
import jax
import jax.numpy as jnp
from jax import lax
from jax.experimental import pallas as pl
from jax.experimental.pallas import tpu as pltpu
from jax.experimental.pallas import tpu_sc as plsc



def _sc_gather(table, idx2d, n_rows, d, c_per_w, c_stride, dpad):
    info = plsc.get_sparse_core_info()
    NC, NS = info.num_cores, info.num_subcores
    groups, rem = divmod(c_per_w, 4)
    mesh = plsc.VectorSubcoreMesh(core_axis_name="c", subcore_axis_name="s")

    def body(table_ref, idx_ref, out_ref, idx_v, buf_v, sem):
        w = lax.axis_index("s") * NC + lax.axis_index("c")
        cbase = w * c_per_w
        pltpu.sync_copy(idx_ref.at[pl.ds(w * c_stride, c_stride)], idx_v)

        def _src(buf):
            return buf if d == dpad else buf.at[:, pl.ds(0, d)]

        def grp(j, carry):
            handles = [
                pltpu.async_copy(
                    table_ref.at[idx_v.at[4 * j + t]],
                    buf_v.at[pl.ds(t * 128, 128)], sem)
                for t in range(4)
            ]
            for h in handles:
                h.wait()
            pltpu.sync_copy(_src(buf_v),
                            out_ref.at[pl.ds((cbase + 4 * j) * 128, 512)])
            return carry

        lax.fori_loop(0, groups, grp, 0)
        if rem:
            hs = [
                pltpu.async_copy(
                    table_ref.at[idx_v.at[4 * groups + t]],
                    buf_v.at[pl.ds(t * 128, 128)], sem)
                for t in range(rem)
            ]
            for h in hs:
                h.wait()
            pltpu.sync_copy(
                _src(buf_v.at[pl.ds(0, rem * 128)]),
                out_ref.at[pl.ds((cbase + 4 * groups) * 128, rem * 128)])

    fn = pl.kernel(
        body,
        mesh=mesh,
        out_type=jax.ShapeDtypeStruct((n_rows, d), jnp.float32),
        scratch_types=[
            pltpu.VMEM((c_stride, 128), jnp.int32),
            pltpu.VMEM((512, dpad), jnp.float32),
            pltpu.SemaphoreType.DMA,
        ],
        compiler_params=pltpu.CompilerParams(use_tc_tiling_on_sc=False),
    )
    return fn(table, idx2d)



def _spiral_mm(g, Wr, b2, n_v, v_blk, n_vblk, s, f_in, f_out):

    def body(g_ref, w_ref, b_ref, o_ref):
        j = pl.program_id(1)
        acc = jnp.dot(g_ref[0, 0], w_ref[0],
                      preferred_element_type=jnp.float32)
        for si in range(1, s):
            acc += jnp.dot(g_ref[si, 0], w_ref[si],
                           preferred_element_type=jnp.float32)
        acc += b_ref[0]
        acc = jnp.where(acc > 0, acc, jnp.exp(acc) - 1.0)
        v = j * v_blk + lax.broadcasted_iota(jnp.int32, (v_blk, 1), 0)
        acc = jnp.where(v == n_v - 1, 0.0, acc)
        o_ref[0] = acc

    return pl.pallas_call(
        body,
        grid=(8, n_vblk),
        in_specs=[
            pl.BlockSpec((s, 1, v_blk, f_in), lambda b, j: (0, b, j, 0)),
            pl.BlockSpec((s, f_in, f_out), lambda b, j: (0, 0, 0)),
            pl.BlockSpec((1, f_out), lambda b, j: (0, 0)),
        ],
        out_specs=pl.BlockSpec((1, v_blk, f_out), lambda b, j: (b, j, 0)),
        out_shape=jax.ShapeDtypeStruct((8, n_v, f_out), jnp.float32),
    )(g, Wr, b2)


def _down_mm(D, h, r_blk, n_rblk, f):
    R, V = D.shape

    def body(d_ref, h_ref, o_ref):
        for b in range(8):
            o_ref[b] = jnp.dot(d_ref[...], h_ref[b],
                               preferred_element_type=jnp.float32)

    return pl.pallas_call(
        body,
        grid=(n_rblk,),
        in_specs=[
            pl.BlockSpec((r_blk, V), lambda r: (r, 0)),
            pl.BlockSpec((8, V, f), lambda r: (0, 0, 0)),
        ],
        out_specs=pl.BlockSpec((8, r_blk, f), lambda r: (0, r, 0)),
        out_shape=jax.ShapeDtypeStruct((8, R, f), jnp.float32),
    )(D, h)


def _fc(h3f, Wfc, bfc2, k_blk, n_kblk, latent):

    def body(h_ref, w_ref, b_ref, o_ref):
        @pl.when(pl.program_id(0) == 0)
        def _():
            o_ref[...] = jnp.broadcast_to(b_ref[0], (8, latent))

        o_ref[...] += jnp.dot(h_ref[...], w_ref[...],
                              preferred_element_type=jnp.float32)

    return pl.pallas_call(
        body,
        grid=(n_kblk,),
        in_specs=[
            pl.BlockSpec((8, k_blk), lambda k: (0, k)),
            pl.BlockSpec((k_blk, latent), lambda k: (k, 0)),
            pl.BlockSpec((1, latent), lambda k: (0, 0)),
        ],
        out_specs=pl.BlockSpec((8, latent), lambda k: (0, 0)),
        out_shape=jax.ShapeDtypeStruct((8, latent), jnp.float32),
    )(h3f, Wfc, bfc2)



def kernel(x, W0, b0, W1, b1, Wfc, bfc, D0, D1, spirals0, spirals1):
    B = 8
    N0, N1, N2 = 5024, 1257, 315
    S = 16
    F0, F1, F2, LAT = 64, 128, 256, 256

    offs0 = (jnp.arange(B, dtype=jnp.int32) * N0)
    idx0 = spirals0.T[:, None, :] + offs0[None, :, None]
    NR0 = S * B * N0
    idx0_2d = jnp.pad(idx0.reshape(32, 157, 128),
                      ((0, 0), (0, 3), (0, 0))).reshape(32 * 160, 128)
    table0 = x.reshape(B * N0, F0)
    g0 = _sc_gather(table0, idx0_2d, NR0, F0, c_per_w=157, c_stride=160,
                    dpad=F0)
    g0 = g0.reshape(S, B, N0, F0)

    W0r = W0.reshape(S, F0, F1)
    h0 = _spiral_mm(g0, W0r, b0.reshape(1, F1), N0, 1256, 4, S, F0, F1)
    h1 = _down_mm(D0, h0, 128, 10, F1)

    V1P = 1280
    offs1 = (jnp.arange(B, dtype=jnp.int32) * N1)
    idx1 = spirals1.T[:, None, :] + offs1[None, :, None]
    idx1 = jnp.pad(idx1, ((0, 0), (0, 0), (0, V1P - N1)))
    NR1 = S * B * V1P
    idx1_2d = idx1.reshape(NR1 // 128, 128)
    table1 = h1.reshape(B * N1, F1)
    g1 = _sc_gather(table1, idx1_2d, NR1, F1, c_per_w=40, c_stride=40,
                    dpad=F1)
    g1 = g1.reshape(S, B, V1P, F1)

    W1r = W1.reshape(S, F1, F2)
    h2 = _spiral_mm(g1, W1r, b1.reshape(1, F2), N1, 640, 2, S, F1, F2)
    h3 = _down_mm(D1, h2, 64, 5, F2)

    h3f = h3.reshape(B, N2 * F2)
    return _fc(h3f, Wfc, bfc.reshape(1, LAT), 16128, 5, LAT)

# --- scband reference (transcript-rebuilt; emitter-appended) ---
"""Pipeline reference for scband-spiral-encoder-51969104281981 (READ-ONLY COPY).

The authoritative reference and input builder live on the scoring server;
editing this copy changes nothing except your own understanding.
"""

import jax, jax.numpy as jnp
import numpy as np


def _spiral_conv(x, spiral, W, b):
    bsize, num_pts, feats = x.shape
    spiral_size = spiral.shape[-1]
    idx = jnp.broadcast_to(spiral.reshape(1, num_pts * spiral_size), (bsize, num_pts * spiral_size))
    gathered = jax.vmap(lambda xb, ib: xb[ib])(x, idx)
    out = gathered.reshape(bsize * num_pts, spiral_size * feats) @ W + b
    out = jax.nn.elu(out)
    out = out.reshape(bsize, num_pts, -1)
    zp = jnp.ones((1, num_pts, 1), dtype=out.dtype).at[0, -1, 0].set(0.0)
    return out * zp


def setup_inputs(seed: int = 0):
    key = jax.random.key(seed)
    ks = jax.random.split(key, 10)
    bsize = 8
    n0, n1, n2 = 5024, 1257, 315
    s = 16
    f0, f1, f2, latent = 64, 128, 256, 256
    x = jax.random.normal(ks[0], (bsize, n0, f0), dtype=jnp.float32)
    spirals0 = jax.random.randint(ks[1], (n0, s), 0, n0, dtype=jnp.int32)
    spirals1 = jax.random.randint(ks[2], (n1, s), 0, n1, dtype=jnp.int32)
    D0 = jax.random.uniform(ks[3], (n1, n0), dtype=jnp.float32) * (2.0 / n0)
    D1 = jax.random.uniform(ks[4], (n2, n1), dtype=jnp.float32) * (2.0 / n1)
    W0 = jax.random.normal(ks[5], (f0 * s, f1), dtype=jnp.float32) / np.sqrt(f0 * s)
    b0 = jnp.zeros((f1,), dtype=jnp.float32)
    W1 = jax.random.normal(ks[6], (f1 * s, f2), dtype=jnp.float32) / np.sqrt(f1 * s)
    b1 = jnp.zeros((f2,), dtype=jnp.float32)
    Wfc = jax.random.normal(ks[7], (n2 * f2, latent), dtype=jnp.float32) / np.sqrt(n2 * f2)
    bfc = jnp.zeros((latent,), dtype=jnp.float32)
    return {"x": x, "W0": W0, "b0": b0, "W1": W1, "b1": b1, "Wfc": Wfc, "bfc": bfc, "D0": D0, "D1": D1, "spirals0": spirals0, "spirals1": spirals1}


def reference(x, W0, b0, W1, b1, Wfc, bfc, D0, D1, spirals0, spirals1):
    bsize = x.shape[0]
    h = _spiral_conv(x, spirals0, W0, b0)
    h = jnp.matmul(D0, h)
    h = _spiral_conv(h, spirals1, W1, b1)
    h = jnp.matmul(D1, h)
    h = h.reshape(bsize, -1)
    return h @ Wfc + bfc

if __name__ == "__main__":
    import jax
    _d = setup_inputs()
    print(jax.jit(kernel)(*tuple(_d.values())))

</pallas_src>

<mosaic_0001>
#map = affine_map<(d0, d1) -> (0, 0)>
module attributes {stable_mosaic.version = 14 : i64} {
  func.func @body(%arg0: i32, %arg1: i32, %arg2: memref<40192x64xf32, #tpu.memory_space<hbm>>, %arg3: memref<5120x128xi32, #tpu.memory_space<hbm>>, %arg4: memref<643072x64xf32, #tpu.memory_space<hbm>>, %arg5: memref<160x128xi32, #tpu.memory_space<vmem>>, %arg6: memref<512x64xf32, #tpu.memory_space<vmem>>, %arg7: memref<!tpu.dma_semaphore, #tpu.memory_space<semaphore_mem>>) attributes {dimension_semantics = [#tpu.dimension_semantics<core_parallel>, #tpu.dimension_semantics<subcore_parallel>], iteration_bounds = array<i64: 2, 16>, scalar_prefetch = 0 : i64, scratch_operands = 3 : i64, tpu.core_type = #tpu.core_type<sc_vector_subcore>, window_params = [{transform_indices = #map}, {transform_indices = #map}, {transform_indices = #map}]} {
    %mul3A = arith.constant 2 : i32
    %mul3A_0 = arith.muli %arg1, %mul3A : i32
    %add3A = arith.addi %mul3A_0, %arg0 : i32
    %mul3A_1 = arith.constant 157 : i32
    %mul3A_2 = arith.muli %add3A, %mul3A_1 : i32
    %mul3A_3 = arith.constant 160 : i32
    %mul3A_4 = arith.muli %add3A, %mul3A_3 : i32
    "tpu.region"() ({
      %run_scoped3A = tpu.sem_alloc : memref<!tpu.dma_semaphore, #tpu.memory_space<semaphore_mem>>
      %dma_start3A_32 = arith.constant 0 : i32
      %dma_start3A_33 = tpu.memref_slice %arg3[%mul3A_4, %dma_start3A_32] : memref<5120x128xi32, #tpu.memory_space<hbm>> -> memref<160x128xi32, #tpu.memory_space<hbm>>
      %dma_start3A_34 = arith.constant 0 : i32
      %dma_start3A_35 = tpu.memref_slice %arg3[%mul3A_4, %dma_start3A_34] : memref<5120x128xi32, #tpu.memory_space<hbm>> -> memref<160x128xi32, #tpu.memory_space<hbm>>
      tpu.enqueue_dma source(%dma_start3A_35 : memref<160x128xi32, #tpu.memory_space<hbm>>) target(%arg5 : memref<160x128xi32, #tpu.memory_space<vmem>>) target_semaphore(%run_scoped3A : memref<!tpu.dma_semaphore, #tpu.memory_space<semaphore_mem>>)
      %dma_wait3A_36 = arith.constant 0 : i32
      %dma_wait3A_37 = tpu.memref_slice %arg3[%mul3A_4, %dma_wait3A_36] : memref<5120x128xi32, #tpu.memory_space<hbm>> -> memref<160x128xi32, #tpu.memory_space<hbm>>
      %dma_wait3A_38 = arith.constant 0 : i32
      %dma_wait3A_39 = tpu.memref_slice %arg3[%mul3A_4, %dma_wait3A_38] : memref<5120x128xi32, #tpu.memory_space<hbm>> -> memref<160x128xi32, #tpu.memory_space<hbm>>
      tpu.wait_dma2 semaphore(%run_scoped3A : memref<!tpu.dma_semaphore, #tpu.memory_space<semaphore_mem>>) src(%dma_wait3A_39 : memref<160x128xi32, #tpu.memory_space<hbm>>) dst(%arg5 : memref<160x128xi32, #tpu.memory_space<vmem>>)
      tpu.yield
    }) : () -> ()
    %scan3A = arith.constant 0 : i32
    %scan3A_5 = arith.constant 0 : i32
    %scan3A_6 = arith.constant 39 : i32
    %scan3A_7 = arith.addi %scan3A_5, %scan3A_6 : i32
    %scan3A_8 = arith.constant 1 : i32
    scf.for %scan3A_32 = %scan3A_5 to %scan3A_7 step %scan3A_8  : i32 {
      %mul3A_33 = arith.constant 4 : i32
      %mul3A_34 = arith.muli %mul3A_33, %scan3A_32 : i32
      %add3A_35 = arith.constant 0 : i32
      %add3A_36 = arith.addi %mul3A_34, %add3A_35 : i32
      %dma_start3A_37 = arith.constant 0 : i32
      %dma_start3A_38 = arith.constant 0 : i32
      %dma_start3A_39 = tpu.memref_slice %arg6[%dma_start3A_37, %dma_start3A_38] : memref<512x64xf32, #tpu.memory_space<vmem>> -> memref<128x64xf32, #tpu.memory_space<vmem>>
      %dma_start3A_40 = arith.constant 0 : i32
      %dma_start3A_41 = tpu.memref_slice %arg5[%add3A_36, %dma_start3A_40] : memref<160x128xi32, #tpu.memory_space<vmem>> -> memref<1x128xi32, #tpu.memory_space<vmem>>
      %dma_start3A_42 = tpu.memref_squeeze %dma_start3A_41 : memref<1x128xi32, #tpu.memory_space<vmem>> -> memref<128xi32, #tpu.memory_space<vmem>>
      %dma_start3A_43 = arith.constant 0 : i32
      %dma_start3A_44 = arith.constant 0 : i32
      %dma_start3A_45 = tpu.memref_slice %arg2[%dma_start3A_43, %dma_start3A_44] : memref<40192x64xf32, #tpu.memory_space<hbm>> -> memref<40192x64xf32, #tpu.memory_space<hbm>>
      tpu.enqueue_indirect_dma source(%dma_start3A_45 : memref<40192x64xf32, #tpu.memory_space<hbm>>) target(%dma_start3A_39 : memref<128x64xf32, #tpu.memory_space<vmem>>) offsets(%dma_start3A_42 : memref<128xi32, #tpu.memory_space<vmem>>) semaphore(%arg7 : memref<!tpu.dma_semaphore, #tpu.memory_space<semaphore_mem>>)
      %mul3A_46 = arith.constant 4 : i32
      %mul3A_47 = arith.muli %mul3A_46, %scan3A_32 : i32
      %add3A_48 = arith.constant 1 : i32
      %add3A_49 = arith.addi %mul3A_47, %add3A_48 : i32
      %dma_start3A_50 = arith.constant 128 : i32
      %dma_start3A_51 = arith.constant 0 : i32
      %dma_start3A_52 = tpu.memref_slice %arg6[%dma_start3A_50, %dma_start3A_51] : memref<512x64xf32, #tpu.memory_space<vmem>> -> memref<128x64xf32, #tpu.memory_space<vmem>>
      %dma_start3A_53 = arith.constant 0 : i32
      %dma_start3A_54 = tpu.memref_slice %arg5[%add3A_49, %dma_start3A_53] : memref<160x128xi32, #tpu.memory_space<vmem>> -> memref<1x128xi32, #tpu.memory_space<vmem>>
      %dma_start3A_55 = tpu.memref_squeeze %dma_start3A_54 : memref<1x128xi32, #tpu.memory_space<vmem>> -> memref<128xi32, #tpu.memory_space<vmem>>
      %dma_start3A_56 = arith.constant 0 : i32
      %dma_start3A_57 = arith.constant 0 : i32
      %dma_start3A_58 = tpu.memref_slice %arg2[%dma_start3A_56, %dma_start3A_57] : memref<40192x64xf32, #tpu.memory_space<hbm>> -> memref<40192x64xf32, #tpu.memory_space<hbm>>
      tpu.enqueue_indirect_dma source(%dma_start3A_58 : memref<40192x64xf32, #tpu.memory_space<hbm>>) target(%dma_start3A_52 : memref<128x64xf32, #tpu.memory_space<vmem>>) offsets(%dma_start3A_55 : memref<128xi32, #tpu.memory_space<vmem>>) semaphore(%arg7 : memref<!tpu.dma_semaphore, #tpu.memory_space<semaphore_mem>>)
      %mul3A_59 = arith.constant 4 : i32
      %mul3A_60 = arith.muli %mul3A_59, %scan3A_32 : i32
      %add3A_61 = arith.constant 2 : i32
      %add3A_62 = arith.addi %mul3A_60, %add3A_61 : i32
      %dma_start3A_63 = arith.constant 256 : i32
      %dma_start3A_64 = arith.constant 0 : i32
      %dma_start3A_65 = tpu.memref_slice %arg6[%dma_start3A_63, %dma_start3A_64] : memref<512x64xf32, #tpu.memory_space<vmem>> -> memref<128x64xf32, #tpu.memory_space<vmem>>
      %dma_start3A_66 = arith.constant 0 : i32
      %dma_start3A_67 = tpu.memref_slice %arg5[%add3A_62, %dma_start3A_66] : memref<160x128xi32, #tpu.memory_space<vmem>> -> memref<1x128xi32, #tpu.memory_space<vmem>>
      %dma_start3A_68 = tpu.memref_squeeze %dma_start3A_67 : memref<1x128xi32, #tpu.memory_space<vmem>> -> memref<128xi32, #tpu.memory_space<vmem>>
      %dma_start3A_69 = arith.constant 0 : i32
      %dma_start3A_70 = arith.constant 0 : i32
      %dma_start3A_71 = tpu.memref_slice %arg2[%dma_start3A_69, %dma_start3A_70] : memref<40192x64xf32, #tpu.memory_space<hbm>> -> memref<40192x64xf32, #tpu.memory_space<hbm>>
      tpu.enqueue_indirect_dma source(%dma_start3A_71 : memref<40192x64xf32, #tpu.memory_space<hbm>>) target(%dma_start3A_65 : memref<128x64xf32, #tpu.memory_space<vmem>>) offsets(%dma_start3A_68 : memref<128xi32, #tpu.memory_space<vmem>>) semaphore(%arg7 : memref<!tpu.dma_semaphore, #tpu.memory_space<semaphore_mem>>)
      %mul3A_72 = arith.constant 4 : i32
      %mul3A_73 = arith.muli %mul3A_72, %scan3A_32 : i32
      %add3A_74 = arith.constant 3 : i32
      %add3A_75 = arith.addi %mul3A_73, %add3A_74 : i32
      %dma_start3A_76 = arith.constant 384 : i32
      %dma_start3A_77 = arith.constant 0 : i32
      %dma_start3A_78 = tpu.memref_slice %arg6[%dma_start3A_76, %dma_start3A_77] : memref<512x64xf32, #tpu.memory_space<vmem>> -> memref<128x64xf32, #tpu.memory_space<vmem>>
      %dma_start3A_79 = arith.constant 0 : i32
      %dma_start3A_80 = tpu.memref_slice %arg5[%add3A_75, %dma_start3A_79] : memref<160x128xi32, #tpu.memory_space<vmem>> -> memref<1x128xi32, #tpu.memory_space<vmem>>
      %dma_start3A_81 = tpu.memref_squeeze %dma_start3A_80 : memref<1x128xi32, #tpu.memory_space<vmem>> -> memref<128xi32, #tpu.memory_space<vmem>>
      %dma_start3A_82 = arith.constant 0 : i32
      %dma_start3A_83 = arith.constant 0 : i32
      %dma_start3A_84 = tpu.memref_slice %arg2[%dma_start3A_82, %dma_start3A_83] : memref<40192x64xf32, #tpu.memory_space<hbm>> -> memref<40192x64xf32, #tpu.memory_space<hbm>>
      tpu.enqueue_indirect_dma source(%dma_start3A_84 : memref<40192x64xf32, #tpu.memory_space<hbm>>) target(%dma_start3A_78 : memref<128x64xf32, #tpu.memory_space<vmem>>) offsets(%dma_start3A_81 : memref<128xi32, #tpu.memory_space<vmem>>) semaphore(%arg7 : memref<!tpu.dma_semaphore, #tpu.memory_space<semaphore_mem>>)
      %dma_wait3A_85 = arith.constant 0 : i32
      %dma_wait3A_86 = arith.constant 0 : i32
      %dma_wait3A_87 = tpu.memref_slice %arg6[%dma_wait3A_85, %dma_wait3A_86] : memref<512x64xf32, #tpu.memory_space<vmem>> -> memref<128x64xf32, #tpu.memory_space<vmem>>
      %dma_wait3A_88 = arith.constant 0 : i32
      %dma_wait3A_89 = tpu.memref_slice %arg5[%add3A_36, %dma_wait3A_88] : memref<160x128xi32, #tpu.memory_space<vmem>> -> memref<1x128xi32, #tpu.memory_space<vmem>>
      %dma_wait3A_90 = tpu.memref_squeeze %dma_wait3A_89 : memref<1x128xi32, #tpu.memory_space<vmem>> -> memref<128xi32, #tpu.memory_space<vmem>>
      %dma_wait3A_91 = arith.constant 0 : i32
      %dma_wait3A_92 = arith.constant 0 : i32
      %dma_wait3A_93 = tpu.memref_slice %arg2[%dma_wait3A_91, %dma_wait3A_92] : memref<40192x64xf32, #tpu.memory_space<hbm>> -> memref<40192x64xf32, #tpu.memory_space<hbm>>
      tpu.wait_indirect_dma semaphore(%arg7 : memref<!tpu.dma_semaphore, #tpu.memory_space<semaphore_mem>>) src(%dma_wait3A_93 : memref<40192x64xf32, #tpu.memory_space<hbm>>) dst(%dma_wait3A_87 : memref<128x64xf32, #tpu.memory_space<vmem>>)
      %dma_wait3A_94 = arith.constant 128 : i32
      %dma_wait3A_95 = arith.constant 0 : i32
      %dma_wait3A_96 = tpu.memref_slice %arg6[%dma_wait3A_94, %dma_wait3A_95] : memref<512x64xf32, #tpu.memory_space<vmem>> -> memref<128x64xf32, #tpu.memory_space<vmem>>
      %dma_wait3A_97 = arith.constant 0 : i32
      %dma_wait3A_98 = tpu.memref_slice %arg5[%add3A_49, %dma_wait3A_97] : memref<160x128xi32, #tpu.memory_space<vmem>> -> memref<1x128xi32, #tpu.memory_space<vmem>>
      %dma_wait3A_99 = tpu.memref_squeeze %dma_wait3A_98 : memref<1x128xi32, #tpu.memory_space<vmem>> -> memref<128xi32, #tpu.memory_space<vmem>>
      %dma_wait3A_100 = arith.constant 0 : i32
      %dma_wait3A_101 = arith.constant 0 : i32
      %dma_wait3A_102 = tpu.memref_slice %arg2[%dma_wait3A_100, %dma_wait3A_101] : memref<40192x64xf32, #tpu.memory_space<hbm>> -> memref<40192x64xf32, #tpu.memory_space<hbm>>
      tpu.wait_indirect_dma semaphore(%arg7 : memref<!tpu.dma_semaphore, #tpu.memory_space<semaphore_mem>>) src(%dma_wait3A_102 : memref<40192x64xf32, #tpu.memory_space<hbm>>) dst(%dma_wait3A_96 : memref<128x64xf32, #tpu.memory_space<vmem>>)
      %dma_wait3A_103 = arith.constant 256 : i32
      %dma_wait3A_104 = arith.constant 0 : i32
      %dma_wait3A_105 = tpu.memref_slice %arg6[%dma_wait3A_103, %dma_wait3A_104] : memref<512x64xf32, #tpu.memory_space<vmem>> -> memref<128x64xf32, #tpu.memory_space<vmem>>
      %dma_wait3A_106 = arith.constant 0 : i32
      %dma_wait3A_107 = tpu.memref_slice %arg5[%add3A_62, %dma_wait3A_106] : memref<160x128xi32, #tpu.memory_space<vmem>> -> memref<1x128xi32, #tpu.memory_space<vmem>>
      %dma_wait3A_108 = tpu.memref_squeeze %dma_wait3A_107 : memref<1x128xi32, #tpu.memory_space<vmem>> -> memref<128xi32, #tpu.memory_space<vmem>>
      %dma_wait3A_109 = arith.constant 0 : i32
      %dma_wait3A_110 = arith.constant 0 : i32
      %dma_wait3A_111 = tpu.memref_slice %arg2[%dma_wait3A_109, %dma_wait3A_110] : memref<40192x64xf32, #tpu.memory_space<hbm>> -> memref<40192x64xf32, #tpu.memory_space<hbm>>
      tpu.wait_indirect_dma semaphore(%arg7 : memref<!tpu.dma_semaphore, #tpu.memory_space<semaphore_mem>>) src(%dma_wait3A_111 : memref<40192x64xf32, #tpu.memory_space<hbm>>) dst(%dma_wait3A_105 : memref<128x64xf32, #tpu.memory_space<vmem>>)
      %dma_wait3A_112 = arith.constant 384 : i32
      %dma_wait3A_113 = arith.constant 0 : i32
      %dma_wait3A_114 = tpu.memref_slice %arg6[%dma_wait3A_112, %dma_wait3A_113] : memref<512x64xf32, #tpu.memory_space<vmem>> -> memref<128x64xf32, #tpu.memory_space<vmem>>
      %dma_wait3A_115 = arith.constant 0 : i32
      %dma_wait3A_116 = tpu.memref_slice %arg5[%add3A_75, %dma_wait3A_115] : memref<160x128xi32, #tpu.memory_space<vmem>> -> memref<1x128xi32, #tpu.memory_space<vmem>>
      %dma_wait3A_117 = tpu.memref_squeeze %dma_wait3A_116 : memref<1x128xi32, #tpu.memory_space<vmem>> -> memref<128xi32, #tpu.memory_space<vmem>>
      %dma_wait3A_118 = arith.constant 0 : i32
      %dma_wait3A_119 = arith.constant 0 : i32
      %dma_wait3A_120 = tpu.memref_slice %arg2[%dma_wait3A_118, %dma_wait3A_119] : memref<40192x64xf32, #tpu.memory_space<hbm>> -> memref<40192x64xf32, #tpu.memory_space<hbm>>
      tpu.wait_indirect_dma semaphore(%arg7 : memref<!tpu.dma_semaphore, #tpu.memory_space<semaphore_mem>>) src(%dma_wait3A_120 : memref<40192x64xf32, #tpu.memory_space<hbm>>) dst(%dma_wait3A_114 : memref<128x64xf32, #tpu.memory_space<vmem>>)
      %mul3A_121 = arith.constant 4 : i32
      %mul3A_122 = arith.muli %mul3A_121, %scan3A_32 : i32
      %add3A_123 = arith.addi %mul3A_2, %mul3A_122 : i32
      %mul3A_124 = arith.constant 128 : i32
      %mul3A_125 = arith.muli %add3A_123, %mul3A_124 : i32
      "tpu.region"() ({
        %run_scoped3A = tpu.sem_alloc : memref<!tpu.dma_semaphore, #tpu.memory_space<semaphore_mem>>
        %dma_start3A_126 = arith.constant 0 : i32
        %dma_start3A_127 = tpu.memref_slice %arg4[%mul3A_125, %dma_start3A_126] : memref<643072x64xf32, #tpu.memory_space<hbm>> -> memref<512x64xf32, #tpu.memory_space<hbm>>
        %dma_start3A_128 = arith.constant 0 : i32
        %dma_start3A_129 = tpu.memref_slice %arg4[%mul3A_125, %dma_start3A_128] : memref<643072x64xf32, #tpu.memory_space<hbm>> -> memref<512x64xf32, #tpu.memory_space<hbm>>
        tpu.enqueue_dma source(%arg6 : memref<512x64xf32, #tpu.memory_space<vmem>>) target(%dma_start3A_129 : memref<512x64xf32, #tpu.memory_space<hbm>>) target_semaphore(%run_scoped3A : memref<!tpu.dma_semaphore, #tpu.memory_space<semaphore_mem>>)
        %dma_wait3A_130 = arith.constant 0 : i32
        %dma_wait3A_131 = tpu.memref_slice %arg4[%mul3A_125, %dma_wait3A_130] : memref<643072x64xf32, #tpu.memory_space<hbm>> -> memref<512x64xf32, #tpu.memory_space<hbm>>
        %dma_wait3A_132 = arith.constant 0 : i32
        %dma_wait3A_133 = tpu.memref_slice %arg4[%mul3A_125, %dma_wait3A_132] : memref<643072x64xf32, #tpu.memory_space<hbm>> -> memref<512x64xf32, #tpu.memory_space<hbm>>
        tpu.wait_dma2 semaphore(%run_scoped3A : memref<!tpu.dma_semaphore, #tpu.memory_space<semaphore_mem>>) src(%arg6 : memref<512x64xf32, #tpu.memory_space<vmem>>) dst(%dma_wait3A_133 : memref<512x64xf32, #tpu.memory_space<hbm>>)
        tpu.yield
      }) : () -> ()
    }
    %scan3A_9 = arith.constant 39 : i32
    %dma_start3A = arith.constant 156 : i32
    %dma_start3A_10 = arith.constant 0 : i32
    %dma_start3A_11 = arith.constant 0 : i32
    %dma_start3A_12 = tpu.memref_slice %arg6[%dma_start3A_10, %dma_start3A_11] : memref<512x64xf32, #tpu.memory_space<vmem>> -> memref<128x64xf32, #tpu.memory_space<vmem>>
    %dma_start3A_13 = arith.constant 0 : i32
    %dma_start3A_14 = tpu.memref_slice %arg5[%dma_start3A, %dma_start3A_13] : memref<160x128xi32, #tpu.memory_space<vmem>> -> memref<1x128xi32, #tpu.memory_space<vmem>>
    %dma_start3A_15 = tpu.memref_squeeze %dma_start3A_14 : memref<1x128xi32, #tpu.memory_space<vmem>> -> memref<128xi32, #tpu.memory_space<vmem>>
    %dma_start3A_16 = arith.constant 0 : i32
    %dma_start3A_17 = arith.constant 0 : i32
    %dma_start3A_18 = tpu.memref_slice %arg2[%dma_start3A_16, %dma_start3A_17] : memref<40192x64xf32, #tpu.memory_space<hbm>> -> memref<40192x64xf32, #tpu.memory_space<hbm>>
    tpu.enqueue_indirect_dma source(%dma_start3A_18 : memref<40192x64xf32, #tpu.memory_space<hbm>>) target(%dma_start3A_12 : memref<128x64xf32, #tpu.memory_space<vmem>>) offsets(%dma_start3A_15 : memref<128xi32, #tpu.memory_space<vmem>>) semaphore(%arg7 : memref<!tpu.dma_semaphore, #tpu.memory_space<semaphore_mem>>)
    %dma_wait3A = arith.constant 156 : i32
    %dma_wait3A_19 = arith.constant 0 : i32
    %dma_wait3A_20 = arith.constant 0 : i32
    %dma_wait3A_21 = tpu.memref_slice %arg6[%dma_wait3A_19, %dma_wait3A_20] : memref<512x64xf32, #tpu.memory_space<vmem>> -> memref<128x64xf32, #tpu.memory_space<vmem>>
    %dma_wait3A_22 = arith.constant 0 : i32
    %dma_wait3A_23 = tpu.memref_slice %arg5[%dma_wait3A, %dma_wait3A_22] : memref<160x128xi32, #tpu.memory_space<vmem>> -> memref<1x128xi32, #tpu.memory_space<vmem>>
    %dma_wait3A_24 = tpu.memref_squeeze %dma_wait3A_23 : memref<1x128xi32, #tpu.memory_space<vmem>> -> memref<128xi32, #tpu.memory_space<vmem>>
    %dma_wait3A_25 = arith.constant 0 : i32
    %dma_wait3A_26 = arith.constant 0 : i32
    %dma_wait3A_27 = tpu.memref_slice %arg2[%dma_wait3A_25, %dma_wait3A_26] : memref<40192x64xf32, #tpu.memory_space<hbm>> -> memref<40192x64xf32, #tpu.memory_space<hbm>>
    tpu.wait_indirect_dma semaphore(%arg7 : memref<!tpu.dma_semaphore, #tpu.memory_space<semaphore_mem>>) src(%dma_wait3A_27 : memref<40192x64xf32, #tpu.memory_space<hbm>>) dst(%dma_wait3A_21 : memref<128x64xf32, #tpu.memory_space<vmem>>)
    %add3A_28 = arith.constant 156 : i32
    %add3A_29 = arith.addi %mul3A_2, %add3A_28 : i32
    %mul3A_30 = arith.constant 128 : i32
    %mul3A_31 = arith.muli %add3A_29, %mul3A_30 : i32
    "tpu.region"() ({
      %run_scoped3A = tpu.sem_alloc : memref<!tpu.dma_semaphore, #tpu.memory_space<semaphore_mem>>
      %dma_start3A_32 = arith.constant 0 : i32
      %dma_start3A_33 = arith.constant 0 : i32
      %dma_start3A_34 = tpu.memref_slice %arg6[%dma_start3A_32, %dma_start3A_33] : memref<512x64xf32, #tpu.memory_space<vmem>> -> memref<128x64xf32, #tpu.memory_space<vmem>>
      %dma_start3A_35 = arith.constant 0 : i32
      %dma_start3A_36 = tpu.memref_slice %arg4[%mul3A_31, %dma_start3A_35] : memref<643072x64xf32, #tpu.memory_space<hbm>> -> memref<128x64xf32, #tpu.memory_space<hbm>>
      %dma_start3A_37 = arith.constant 0 : i32
      %dma_start3A_38 = tpu.memref_slice %arg4[%mul3A_31, %dma_start3A_37] : memref<643072x64xf32, #tpu.memory_space<hbm>> -> memref<128x64xf32, #tpu.memory_space<hbm>>
      %dma_start3A_39 = arith.constant 0 : i32
      %dma_start3A_40 = arith.constant 0 : i32
      %dma_start3A_41 = tpu.memref_slice %arg6[%dma_start3A_39, %dma_start3A_40] : memref<512x64xf32, #tpu.memory_space<vmem>> -> memref<128x64xf32, #tpu.memory_space<vmem>>
      tpu.enqueue_dma source(%dma_start3A_41 : memref<128x64xf32, #tpu.memory_space<vmem>>) target(%dma_start3A_38 : memref<128x64xf32, #tpu.memory_space<hbm>>) target_semaphore(%run_scoped3A : memref<!tpu.dma_semaphore, #tpu.memory_space<semaphore_mem>>)
      %dma_wait3A_42 = arith.constant 0 : i32
      %dma_wait3A_43 = arith.constant 0 : i32
      %dma_wait3A_44 = tpu.memref_slice %arg6[%dma_wait3A_42, %dma_wait3A_43] : memref<512x64xf32, #tpu.memory_space<vmem>> -> memref<128x64xf32, #tpu.memory_space<vmem>>
      %dma_wait3A_45 = arith.constant 0 : i32
      %dma_wait3A_46 = tpu.memref_slice %arg4[%mul3A_31, %dma_wait3A_45] : memref<643072x64xf32, #tpu.memory_space<hbm>> -> memref<128x64xf32, #tpu.memory_space<hbm>>
      %dma_wait3A_47 = arith.constant 0 : i32
      %dma_wait3A_48 = tpu.memref_slice %arg4[%mul3A_31, %dma_wait3A_47] : memref<643072x64xf32, #tpu.memory_space<hbm>> -> memref<128x64xf32, #tpu.memory_space<hbm>>
      %dma_wait3A_49 = arith.constant 0 : i32
      %dma_wait3A_50 = arith.constant 0 : i32
      %dma_wait3A_51 = tpu.memref_slice %arg6[%dma_wait3A_49, %dma_wait3A_50] : memref<512x64xf32, #tpu.memory_space<vmem>> -> memref<128x64xf32, #tpu.memory_space<vmem>>
      tpu.wait_dma2 semaphore(%run_scoped3A : memref<!tpu.dma_semaphore, #tpu.memory_space<semaphore_mem>>) src(%dma_wait3A_51 : memref<128x64xf32, #tpu.memory_space<vmem>>) dst(%dma_wait3A_48 : memref<128x64xf32, #tpu.memory_space<hbm>>)
      tpu.yield
    }) : () -> ()
    return
  }
}

#map = affine_map<(d0, d1) -> (0, 0)>
module attributes {stable_mosaic.version = 14 : i64} {
  func.func @body(%arg0: i32, %arg1: i32, %arg2: memref<10056x128xf32, #tpu.memory_space<hbm>>, %arg3: memref<1280x128xi32, #tpu.memory_space<hbm>>, %arg4: memref<163840x128xf32, #tpu.memory_space<hbm>>, %arg5: memref<40x128xi32, #tpu.memory_space<vmem>>, %arg6: memref<512x128xf32, #tpu.memory_space<vmem>>, %arg7: memref<!tpu.dma_semaphore, #tpu.memory_space<semaphore_mem>>) attributes {dimension_semantics = [#tpu.dimension_semantics<core_parallel>, #tpu.dimension_semantics<subcore_parallel>], iteration_bounds = array<i64: 2, 16>, scalar_prefetch = 0 : i64, scratch_operands = 3 : i64, tpu.core_type = #tpu.core_type<sc_vector_subcore>, window_params = [{transform_indices = #map}, {transform_indices = #map}, {transform_indices = #map}]} {
    %mul3A = arith.constant 2 : i32
    %mul3A_0 = arith.muli %arg1, %mul3A : i32
    %add3A = arith.addi %mul3A_0, %arg0 : i32
    %mul3A_1 = arith.constant 40 : i32
    %mul3A_2 = arith.muli %add3A, %mul3A_1 : i32
    %mul3A_3 = arith.constant 40 : i32
    %mul3A_4 = arith.muli %add3A, %mul3A_3 : i32
    "tpu.region"() ({
      %run_scoped3A = tpu.sem_alloc : memref<!tpu.dma_semaphore, #tpu.memory_space<semaphore_mem>>
      %dma_start3A = arith.constant 0 : i32
      %dma_start3A_10 = tpu.memref_slice %arg3[%mul3A_4, %dma_start3A] : memref<1280x128xi32, #tpu.memory_space<hbm>> -> memref<40x128xi32, #tpu.memory_space<hbm>>
      %dma_start3A_11 = arith.constant 0 : i32
      %dma_start3A_12 = tpu.memref_slice %arg3[%mul3A_4, %dma_start3A_11] : memref<1280x128xi32, #tpu.memory_space<hbm>> -> memref<40x128xi32, #tpu.memory_space<hbm>>
      tpu.enqueue_dma source(%dma_start3A_12 : memref<40x128xi32, #tpu.memory_space<hbm>>) target(%arg5 : memref<40x128xi32, #tpu.memory_space<vmem>>) target_semaphore(%run_scoped3A : memref<!tpu.dma_semaphore, #tpu.memory_space<semaphore_mem>>)
      %dma_wait3A = arith.constant 0 : i32
      %dma_wait3A_13 = tpu.memref_slice %arg3[%mul3A_4, %dma_wait3A] : memref<1280x128xi32, #tpu.memory_space<hbm>> -> memref<40x128xi32, #tpu.memory_space<hbm>>
      %dma_wait3A_14 = arith.constant 0 : i32
      %dma_wait3A_15 = tpu.memref_slice %arg3[%mul3A_4, %dma_wait3A_14] : memref<1280x128xi32, #tpu.memory_space<hbm>> -> memref<40x128xi32, #tpu.memory_space<hbm>>
      tpu.wait_dma2 semaphore(%run_scoped3A : memref<!tpu.dma_semaphore, #tpu.memory_space<semaphore_mem>>) src(%dma_wait3A_15 : memref<40x128xi32, #tpu.memory_space<hbm>>) dst(%arg5 : memref<40x128xi32, #tpu.memory_space<vmem>>)
      tpu.yield
    }) : () -> ()
    %scan3A = arith.constant 0 : i32
    %scan3A_5 = arith.constant 0 : i32
    %scan3A_6 = arith.constant 10 : i32
    %scan3A_7 = arith.addi %scan3A_5, %scan3A_6 : i32
    %scan3A_8 = arith.constant 1 : i32
    scf.for %scan3A_10 = %scan3A_5 to %scan3A_7 step %scan3A_8  : i32 {
      %mul3A_11 = arith.constant 4 : i32
      %mul3A_12 = arith.muli %mul3A_11, %scan3A_10 : i32
      %add3A_13 = arith.constant 0 : i32
      %add3A_14 = arith.addi %mul3A_12, %add3A_13 : i32
      %dma_start3A = arith.constant 0 : i32
      %dma_start3A_15 = arith.constant 0 : i32
      %dma_start3A_16 = tpu.memref_slice %arg6[%dma_start3A, %dma_start3A_15] : memref<512x128xf32, #tpu.memory_space<vmem>> -> memref<128x128xf32, #tpu.memory_space<vmem>>
      %dma_start3A_17 = arith.constant 0 : i32
      %dma_start3A_18 = tpu.memref_slice %arg5[%add3A_14, %dma_start3A_17] : memref<40x128xi32, #tpu.memory_space<vmem>> -> memref<1x128xi32, #tpu.memory_space<vmem>>
      %dma_start3A_19 = tpu.memref_squeeze %dma_start3A_18 : memref<1x128xi32, #tpu.memory_space<vmem>> -> memref<128xi32, #tpu.memory_space<vmem>>
      %dma_start3A_20 = arith.constant 0 : i32
      %dma_start3A_21 = arith.constant 0 : i32
      %dma_start3A_22 = tpu.memref_slice %arg2[%dma_start3A_20, %dma_start3A_21] : memref<10056x128xf32, #tpu.memory_space<hbm>> -> memref<10056x128xf32, #tpu.memory_space<hbm>>
      tpu.enqueue_indirect_dma source(%dma_start3A_22 : memref<10056x128xf32, #tpu.memory_space<hbm>>) target(%dma_start3A_16 : memref<128x128xf32, #tpu.memory_space<vmem>>) offsets(%dma_start3A_19 : memref<128xi32, #tpu.memory_space<vmem>>) semaphore(%arg7 : memref<!tpu.dma_semaphore, #tpu.memory_space<semaphore_mem>>)
      %mul3A_23 = arith.constant 4 : i32
      %mul3A_24 = arith.muli %mul3A_23, %scan3A_10 : i32
      %add3A_25 = arith.constant 1 : i32
      %add3A_26 = arith.addi %mul3A_24, %add3A_25 : i32
      %dma_start3A_27 = arith.constant 128 : i32
      %dma_start3A_28 = arith.constant 0 : i32
      %dma_start3A_29 = tpu.memref_slice %arg6[%dma_start3A_27, %dma_start3A_28] : memref<512x128xf32, #tpu.memory_space<vmem>> -> memref<128x128xf32, #tpu.memory_space<vmem>>
      %dma_start3A_30 = arith.constant 0 : i32
      %dma_start3A_31 = tpu.memref_slice %arg5[%add3A_26, %dma_start3A_30] : memref<40x128xi32, #tpu.memory_space<vmem>> -> memref<1x128xi32, #tpu.memory_space<vmem>>
      %dma_start3A_32 = tpu.memref_squeeze %dma_start3A_31 : memref<1x128xi32, #tpu.memory_space<vmem>> -> memref<128xi32, #tpu.memory_space<vmem>>
      %dma_start3A_33 = arith.constant 0 : i32
      %dma_start3A_34 = arith.constant 0 : i32
      %dma_start3A_35 = tpu.memref_slice %arg2[%dma_start3A_33, %dma_start3A_34] : memref<10056x128xf32, #tpu.memory_space<hbm>> -> memref<10056x128xf32, #tpu.memory_space<hbm>>
      tpu.enqueue_indirect_dma source(%dma_start3A_35 : memref<10056x128xf32, #tpu.memory_space<hbm>>) target(%dma_start3A_29 : memref<128x128xf32, #tpu.memory_space<vmem>>) offsets(%dma_start3A_32 : memref<128xi32, #tpu.memory_space<vmem>>) semaphore(%arg7 : memref<!tpu.dma_semaphore, #tpu.memory_space<semaphore_mem>>)
      %mul3A_36 = arith.constant 4 : i32
      %mul3A_37 = arith.muli %mul3A_36, %scan3A_10 : i32
      %add3A_38 = arith.constant 2 : i32
      %add3A_39 = arith.addi %mul3A_37, %add3A_38 : i32
      %dma_start3A_40 = arith.constant 256 : i32
      %dma_start3A_41 = arith.constant 0 : i32
      %dma_start3A_42 = tpu.memref_slice %arg6[%dma_start3A_40, %dma_start3A_41] : memref<512x128xf32, #tpu.memory_space<vmem>> -> memref<128x128xf32, #tpu.memory_space<vmem>>
      %dma_start3A_43 = arith.constant 0 : i32
      %dma_start3A_44 = tpu.memref_slice %arg5[%add3A_39, %dma_start3A_43] : memref<40x128xi32, #tpu.memory_space<vmem>> -> memref<1x128xi32, #tpu.memory_space<vmem>>
      %dma_start3A_45 = tpu.memref_squeeze %dma_start3A_44 : memref<1x128xi32, #tpu.memory_space<vmem>> -> memref<128xi32, #tpu.memory_space<vmem>>
      %dma_start3A_46 = arith.constant 0 : i32
      %dma_start3A_47 = arith.constant 0 : i32
      %dma_start3A_48 = tpu.memref_slice %arg2[%dma_start3A_46, %dma_start3A_47] : memref<10056x128xf32, #tpu.memory_space<hbm>> -> memref<10056x128xf32, #tpu.memory_space<hbm>>
      tpu.enqueue_indirect_dma source(%dma_start3A_48 : memref<10056x128xf32, #tpu.memory_space<hbm>>) target(%dma_start3A_42 : memref<128x128xf32, #tpu.memory_space<vmem>>) offsets(%dma_start3A_45 : memref<128xi32, #tpu.memory_space<vmem>>) semaphore(%arg7 : memref<!tpu.dma_semaphore, #tpu.memory_space<semaphore_mem>>)
      %mul3A_49 = arith.constant 4 : i32
      %mul3A_50 = arith.muli %mul3A_49, %scan3A_10 : i32
      %add3A_51 = arith.constant 3 : i32
      %add3A_52 = arith.addi %mul3A_50, %add3A_51 : i32
      %dma_start3A_53 = arith.constant 384 : i32
      %dma_start3A_54 = arith.constant 0 : i32
      %dma_start3A_55 = tpu.memref_slice %arg6[%dma_start3A_53, %dma_start3A_54] : memref<512x128xf32, #tpu.memory_space<vmem>> -> memref<128x128xf32, #tpu.memory_space<vmem>>
      %dma_start3A_56 = arith.constant 0 : i32
      %dma_start3A_57 = tpu.memref_slice %arg5[%add3A_52, %dma_start3A_56] : memref<40x128xi32, #tpu.memory_space<vmem>> -> memref<1x128xi32, #tpu.memory_space<vmem>>
      %dma_start3A_58 = tpu.memref_squeeze %dma_start3A_57 : memref<1x128xi32, #tpu.memory_space<vmem>> -> memref<128xi32, #tpu.memory_space<vmem>>
      %dma_start3A_59 = arith.constant 0 : i32
      %dma_start3A_60 = arith.constant 0 : i32
      %dma_start3A_61 = tpu.memref_slice %arg2[%dma_start3A_59, %dma_start3A_60] : memref<10056x128xf32, #tpu.memory_space<hbm>> -> memref<10056x128xf32, #tpu.memory_space<hbm>>
      tpu.enqueue_indirect_dma source(%dma_start3A_61 : memref<10056x128xf32, #tpu.memory_space<hbm>>) target(%dma_start3A_55 : memref<128x128xf32, #tpu.memory_space<vmem>>) offsets(%dma_start3A_58 : memref<128xi32, #tpu.memory_space<vmem>>) semaphore(%arg7 : memref<!tpu.dma_semaphore, #tpu.memory_space<semaphore_mem>>)
      %dma_wait3A = arith.constant 0 : i32
      %dma_wait3A_62 = arith.constant 0 : i32
      %dma_wait3A_63 = tpu.memref_slice %arg6[%dma_wait3A, %dma_wait3A_62] : memref<512x128xf32, #tpu.memory_space<vmem>> -> memref<128x128xf32, #tpu.memory_space<vmem>>
      %dma_wait3A_64 = arith.constant 0 : i32
      %dma_wait3A_65 = tpu.memref_slice %arg5[%add3A_14, %dma_wait3A_64] : memref<40x128xi32, #tpu.memory_space<vmem>> -> memref<1x128xi32, #tpu.memory_space<vmem>>
      %dma_wait3A_66 = tpu.memref_squeeze %dma_wait3A_65 : memref<1x128xi32, #tpu.memory_space<vmem>> -> memref<128xi32, #tpu.memory_space<vmem>>
      %dma_wait3A_67 = arith.constant 0 : i32
      %dma_wait3A_68 = arith.constant 0 : i32
      %dma_wait3A_69 = tpu.memref_slice %arg2[%dma_wait3A_67, %dma_wait3A_68] : memref<10056x128xf32, #tpu.memory_space<hbm>> -> memref<10056x128xf32, #tpu.memory_space<hbm>>
      tpu.wait_indirect_dma semaphore(%arg7 : memref<!tpu.dma_semaphore, #tpu.memory_space<semaphore_mem>>) src(%dma_wait3A_69 : memref<10056x128xf32, #tpu.memory_space<hbm>>) dst(%dma_wait3A_63 : memref<128x128xf32, #tpu.memory_space<vmem>>)
      %dma_wait3A_70 = arith.constant 128 : i32
      %dma_wait3A_71 = arith.constant 0 : i32
      %dma_wait3A_72 = tpu.memref_slice %arg6[%dma_wait3A_70, %dma_wait3A_71] : memref<512x128xf32, #tpu.memory_space<vmem>> -> memref<128x128xf32, #tpu.memory_space<vmem>>
      %dma_wait3A_73 = arith.constant 0 : i32
      %dma_wait3A_74 = tpu.memref_slice %arg5[%add3A_26, %dma_wait3A_73] : memref<40x128xi32, #tpu.memory_space<vmem>> -> memref<1x128xi32, #tpu.memory_space<vmem>>
      %dma_wait3A_75 = tpu.memref_squeeze %dma_wait3A_74 : memref<1x128xi32, #tpu.memory_space<vmem>> -> memref<128xi32, #tpu.memory_space<vmem>>
      %dma_wait3A_76 = arith.constant 0 : i32
      %dma_wait3A_77 = arith.constant 0 : i32
      %dma_wait3A_78 = tpu.memref_slice %arg2[%dma_wait3A_76, %dma_wait3A_77] : memref<10056x128xf32, #tpu.memory_space<hbm>> -> memref<10056x128xf32, #tpu.memory_space<hbm>>
      tpu.wait_indirect_dma semaphore(%arg7 : memref<!tpu.dma_semaphore, #tpu.memory_space<semaphore_mem>>) src(%dma_wait3A_78 : memref<10056x128xf32, #tpu.memory_space<hbm>>) dst(%dma_wait3A_72 : memref<128x128xf32, #tpu.memory_space<vmem>>)
      %dma_wait3A_79 = arith.constant 256 : i32
      %dma_wait3A_80 = arith.constant 0 : i32
      %dma_wait3A_81 = tpu.memref_slice %arg6[%dma_wait3A_79, %dma_wait3A_80] : memref<512x128xf32, #tpu.memory_space<vmem>> -> memref<128x128xf32, #tpu.memory_space<vmem>>
      %dma_wait3A_82 = arith.constant 0 : i32
      %dma_wait3A_83 = tpu.memref_slice %arg5[%add3A_39, %dma_wait3A_82] : memref<40x128xi32, #tpu.memory_space<vmem>> -> memref<1x128xi32, #tpu.memory_space<vmem>>
      %dma_wait3A_84 = tpu.memref_squeeze %dma_wait3A_83 : memref<1x128xi32, #tpu.memory_space<vmem>> -> memref<128xi32, #tpu.memory_space<vmem>>
      %dma_wait3A_85 = arith.constant 0 : i32
      %dma_wait3A_86 = arith.constant 0 : i32
      %dma_wait3A_87 = tpu.memref_slice %arg2[%dma_wait3A_85, %dma_wait3A_86] : memref<10056x128xf32, #tpu.memory_space<hbm>> -> memref<10056x128xf32, #tpu.memory_space<hbm>>
      tpu.wait_indirect_dma semaphore(%arg7 : memref<!tpu.dma_semaphore, #tpu.memory_space<semaphore_mem>>) src(%dma_wait3A_87 : memref<10056x128xf32, #tpu.memory_space<hbm>>) dst(%dma_wait3A_81 : memref<128x128xf32, #tpu.memory_space<vmem>>)
      %dma_wait3A_88 = arith.constant 384 : i32
      %dma_wait3A_89 = arith.constant 0 : i32
      %dma_wait3A_90 = tpu.memref_slice %arg6[%dma_wait3A_88, %dma_wait3A_89] : memref<512x128xf32, #tpu.memory_space<vmem>> -> memref<128x128xf32, #tpu.memory_space<vmem>>
      %dma_wait3A_91 = arith.constant 0 : i32
      %dma_wait3A_92 = tpu.memref_slice %arg5[%add3A_52, %dma_wait3A_91] : memref<40x128xi32, #tpu.memory_space<vmem>> -> memref<1x128xi32, #tpu.memory_space<vmem>>
      %dma_wait3A_93 = tpu.memref_squeeze %dma_wait3A_92 : memref<1x128xi32, #tpu.memory_space<vmem>> -> memref<128xi32, #tpu.memory_space<vmem>>
      %dma_wait3A_94 = arith.constant 0 : i32
      %dma_wait3A_95 = arith.constant 0 : i32
      %dma_wait3A_96 = tpu.memref_slice %arg2[%dma_wait3A_94, %dma_wait3A_95] : memref<10056x128xf32, #tpu.memory_space<hbm>> -> memref<10056x128xf32, #tpu.memory_space<hbm>>
      tpu.wait_indirect_dma semaphore(%arg7 : memref<!tpu.dma_semaphore, #tpu.memory_space<semaphore_mem>>) src(%dma_wait3A_96 : memref<10056x128xf32, #tpu.memory_space<hbm>>) dst(%dma_wait3A_90 : memref<128x128xf32, #tpu.memory_space<vmem>>)
      %mul3A_97 = arith.constant 4 : i32
      %mul3A_98 = arith.muli %mul3A_97, %scan3A_10 : i32
      %add3A_99 = arith.addi %mul3A_2, %mul3A_98 : i32
      %mul3A_100 = arith.constant 128 : i32
      %mul3A_101 = arith.muli %add3A_99, %mul3A_100 : i32
      "tpu.region"() ({
        %run_scoped3A = tpu.sem_alloc : memref<!tpu.dma_semaphore, #tpu.memory_space<semaphore_mem>>
        %dma_start3A_102 = arith.constant 0 : i32
        %dma_start3A_103 = tpu.memref_slice %arg4[%mul3A_101, %dma_start3A_102] : memref<163840x128xf32, #tpu.memory_space<hbm>> -> memref<512x128xf32, #tpu.memory_space<hbm>>
        %dma_start3A_104 = arith.constant 0 : i32
        %dma_start3A_105 = tpu.memref_slice %arg4[%mul3A_101, %dma_start3A_104] : memref<163840x128xf32, #tpu.memory_space<hbm>> -> memref<512x128xf32, #tpu.memory_space<hbm>>
        tpu.enqueue_dma source(%arg6 : memref<512x128xf32, #tpu.memory_space<vmem>>) target(%dma_start3A_105 : memref<512x128xf32, #tpu.memory_space<hbm>>) target_semaphore(%run_scoped3A : memref<!tpu.dma_semaphore, #tpu.memory_space<semaphore_mem>>)
        %dma_wait3A_106 = arith.constant 0 : i32
        %dma_wait3A_107 = tpu.memref_slice %arg4[%mul3A_101, %dma_wait3A_106] : memref<163840x128xf32, #tpu.memory_space<hbm>> -> memref<512x128xf32, #tpu.memory_space<hbm>>
        %dma_wait3A_108 = arith.constant 0 : i32
        %dma_wait3A_109 = tpu.memref_slice %arg4[%mul3A_101, %dma_wait3A_108] : memref<163840x128xf32, #tpu.memory_space<hbm>> -> memref<512x128xf32, #tpu.memory_space<hbm>>
        tpu.wait_dma2 semaphore(%run_scoped3A : memref<!tpu.dma_semaphore, #tpu.memory_space<semaphore_mem>>) src(%arg6 : memref<512x128xf32, #tpu.memory_space<vmem>>) dst(%dma_wait3A_109 : memref<512x128xf32, #tpu.memory_space<hbm>>)
        tpu.yield
      }) : () -> ()
    }
    %scan3A_9 = arith.constant 10 : i32
    return
  }
}

module attributes {stable_mosaic.version = 14 : i64} {
  func.func @body(%arg0: i32, %arg1: i32, %arg2: memref<16x1x1256x64xf32, #tpu.memory_space<vmem>>, %arg3: memref<16x64x128xf32, #tpu.memory_space<vmem>>, %arg4: memref<1x128xf32, #tpu.memory_space<vmem>>, %arg5: memref<1x1256x128xf32, #tpu.memory_space<vmem>>) attributes {dimension_semantics = [#tpu.dimension_semantics<arbitrary>, #tpu.dimension_semantics<arbitrary>], iteration_bounds = array<i64: 8, 4>, scalar_prefetch = 0 : i64, scratch_operands = 0 : i64, tpu.core_type = #tpu.core_type<tc>, window_params = [{transform_indices = @transform_0, window_bounds = array<i64: 16, 1, 1256, 64>}, {pipeline_mode = #tpu.pipeline_mode<synchronous>, transform_indices = @transform_1, window_bounds = array<i64: 16, 64, 128>}, {pipeline_mode = #tpu.pipeline_mode<synchronous>, transform_indices = @transform_2, window_bounds = array<i64: 1, 128>}, {transform_indices = @transform_3, window_bounds = array<i64: 1, 1256, 128>}]} {
    %get3A = arith.constant 0 : index
    %get3A_0 = arith.constant 0 : index
    %get3A_1 = arith.constant 0 : index
    %get3A_2 = arith.constant 0 : index
    %get3A_3 = vector.load %arg2[%get3A, %get3A_0, %get3A_1, %get3A_2] : memref<16x1x1256x64xf32, #tpu.memory_space<vmem>>, vector<1x1x1256x64xf32>
    %get3A_4 = vector.shape_cast %get3A_3 : vector<1x1x1256x64xf32> to vector<1256x64xf32>
    %get3A_5 = arith.constant 0 : index
    %get3A_6 = arith.constant 0 : index
    %get3A_7 = arith.constant 0 : index
    %get3A_8 = vector.load %arg3[%get3A_5, %get3A_6, %get3A_7] : memref<16x64x128xf32, #tpu.memory_space<vmem>>, vector<1x64x128xf32>
    %get3A_9 = vector.shape_cast %get3A_8 : vector<1x64x128xf32> to vector<64x128xf32>
    %dot_general3A = arith.constant dense<0.000000e+00> : vector<1256x128xf32>
    %dot_general3A_10 = tpu.matmul %get3A_4, %get3A_9, %dot_general3A {dimension_numbers = #tpu.dot_dimension_numbers<[1], [0], [0], [1], [0, 0, 1, 1], [], []>, transpose_lhs_hint = false} : vector<1256x64xf32>, vector<64x128xf32>, vector<1256x128xf32> -> vector<1256x128xf32>
    %get3A_11 = arith.constant 1 : index
    %get3A_12 = arith.constant 0 : index
    %get3A_13 = arith.constant 0 : index
    %get3A_14 = arith.constant 0 : index
    %get3A_15 = vector.load %arg2[%get3A_11, %get3A_12, %get3A_13, %get3A_14] : memref<16x1x1256x64xf32, #tpu.memory_space<vmem>>, vector<1x1x1256x64xf32>
    %get3A_16 = vector.shape_cast %get3A_15 : vector<1x1x1256x64xf32> to vector<1256x64xf32>
    %get3A_17 = arith.constant 1 : index
    %get3A_18 = arith.constant 0 : index
    %get3A_19 = arith.constant 0 : index
    %get3A_20 = vector.load %arg3[%get3A_17, %get3A_18, %get3A_19] : memref<16x64x128xf32, #tpu.memory_space<vmem>>, vector<1x64x128xf32>
    %get3A_21 = vector.shape_cast %get3A_20 : vector<1x64x128xf32> to vector<64x128xf32>
    %dot_general3A_22 = arith.constant dense<0.000000e+00> : vector<1256x128xf32>
    %dot_general3A_23 = tpu.matmul %get3A_16, %get3A_21, %dot_general3A_22 {dimension_numbers = #tpu.dot_dimension_numbers<[1], [0], [0], [1], [0, 0, 1, 1], [], []>, transpose_lhs_hint = false} : vector<1256x64xf32>, vector<64x128xf32>, vector<1256x128xf32> -> vector<1256x128xf32>
    %add3A = arith.addf %dot_general3A_10, %dot_general3A_23 : vector<1256x128xf32>
    %get3A_24 = arith.constant 2 : index
    %get3A_25 = arith.constant 0 : index
    %get3A_26 = arith.constant 0 : index
    %get3A_27 = arith.constant 0 : index
    %get3A_28 = vector.load %arg2[%get3A_24, %get3A_25, %get3A_26, %get3A_27] : memref<16x1x1256x64xf32, #tpu.memory_space<vmem>>, vector<1x1x1256x64xf32>
    %get3A_29 = vector.shape_cast %get3A_28 : vector<1x1x1256x64xf32> to vector<1256x64xf32>
    %get3A_30 = arith.constant 2 : index
    %get3A_31 = arith.constant 0 : index
    %get3A_32 = arith.constant 0 : index
    %get3A_33 = vector.load %arg3[%get3A_30, %get3A_31, %get3A_32] : memref<16x64x128xf32, #tpu.memory_space<vmem>>, vector<1x64x128xf32>
    %get3A_34 = vector.shape_cast %get3A_33 : vector<1x64x128xf32> to vector<64x128xf32>
    %dot_general3A_35 = arith.constant dense<0.000000e+00> : vector<1256x128xf32>
    %dot_general3A_36 = tpu.matmul %get3A_29, %get3A_34, %dot_general3A_35 {dimension_numbers = #tpu.dot_dimension_numbers<[1], [0], [0], [1], [0, 0, 1, 1], [], []>, transpose_lhs_hint = false} : vector<1256x64xf32>, vector<64x128xf32>, vector<1256x128xf32> -> vector<1256x128xf32>
    %add3A_37 = arith.addf %add3A, %dot_general3A_36 : vector<1256x128xf32>
    %get3A_38 = arith.constant 3 : index
    %get3A_39 = arith.constant 0 : index
    %get3A_40 = arith.constant 0 : index
    %get3A_41 = arith.constant 0 : index
    %get3A_42 = vector.load %arg2[%get3A_38, %get3A_39, %get3A_40, %get3A_41] : memref<16x1x1256x64xf32, #tpu.memory_space<vmem>>, vector<1x1x1256x64xf32>
    %get3A_43 = vector.shape_cast %get3A_42 : vector<1x1x1256x64xf32> to vector<1256x64xf32>
    %get3A_44 = arith.constant 3 : index
    %get3A_45 = arith.constant 0 : index
    %get3A_46 = arith.constant 0 : index
    %get3A_47 = vector.load %arg3[%get3A_44, %get3A_45, %get3A_46] : memref<16x64x128xf32, #tpu.memory_space<vmem>>, vector<1x64x128xf32>
    %get3A_48 = vector.shape_cast %get3A_47 : vector<1x64x128xf32> to vector<64x128xf32>
    %dot_general3A_49 = arith.constant dense<0.000000e+00> : vector<1256x128xf32>
    %dot_general3A_50 = tpu.matmul %get3A_43, %get3A_48, %dot_general3A_49 {dimension_numbers = #tpu.dot_dimension_numbers<[1], [0], [0], [1], [0, 0, 1, 1], [], []>, transpose_lhs_hint = false} : vector<1256x64xf32>, vector<64x128xf32>, vector<1256x128xf32> -> vector<1256x128xf32>
    %add3A_51 = arith.addf %add3A_37, %dot_general3A_50 : vector<1256x128xf32>
    %get3A_52 = arith.constant 4 : index
    %get3A_53 = arith.constant 0 : index
    %get3A_54 = arith.constant 0 : index
    %get3A_55 = arith.constant 0 : index
    %get3A_56 = vector.load %arg2[%get3A_52, %get3A_53, %get3A_54, %get3A_55] : memref<16x1x1256x64xf32, #tpu.memory_space<vmem>>, vector<1x1x1256x64xf32>
    %get3A_57 = vector.shape_cast %get3A_56 : vector<1x1x1256x64xf32> to vector<1256x64xf32>
    %get3A_58 = arith.constant 4 : index
    %get3A_59 = arith.constant 0 : index
    %get3A_60 = arith.constant 0 : index
    %get3A_61 = vector.load %arg3[%get3A_58, %get3A_59, %get3A_60] : memref<16x64x128xf32, #tpu.memory_space<vmem>>, vector<1x64x128xf32>
    %get3A_62 = vector.shape_cast %get3A_61 : vector<1x64x128xf32> to vector<64x128xf32>
    %dot_general3A_63 = arith.constant dense<0.000000e+00> : vector<1256x128xf32>
    %dot_general3A_64 = tpu.matmul %get3A_57, %get3A_62, %dot_general3A_63 {dimension_numbers = #tpu.dot_dimension_numbers<[1], [0], [0], [1], [0, 0, 1, 1], [], []>, transpose_lhs_hint = false} : vector<1256x64xf32>, vector<64x128xf32>, vector<1256x128xf32> -> vector<1256x128xf32>
    %add3A_65 = arith.addf %add3A_51, %dot_general3A_64 : vector<1256x128xf32>
    %get3A_66 = arith.constant 5 : index
    %get3A_67 = arith.constant 0 : index
    %get3A_68 = arith.constant 0 : index
    %get3A_69 = arith.constant 0 : index
    %get3A_70 = vector.load %arg2[%get3A_66, %get3A_67, %get3A_68, %get3A_69] : memref<16x1x1256x64xf32, #tpu.memory_space<vmem>>, vector<1x1x1256x64xf32>
    %get3A_71 = vector.shape_cast %get3A_70 : vector<1x1x1256x64xf32> to vector<1256x64xf32>
    %get3A_72 = arith.constant 5 : index
    %get3A_73 = arith.constant 0 : index
    %get3A_74 = arith.constant 0 : index
    %get3A_75 = vector.load %arg3[%get3A_72, %get3A_73, %get3A_74] : memref<16x64x128xf32, #tpu.memory_space<vmem>>, vector<1x64x128xf32>
    %get3A_76 = vector.shape_cast %get3A_75 : vector<1x64x128xf32> to vector<64x128xf32>
    %dot_general3A_77 = arith.constant dense<0.000000e+00> : vector<1256x128xf32>
    %dot_general3A_78 = tpu.matmul %get3A_71, %get3A_76, %dot_general3A_77 {dimension_numbers = #tpu.dot_dimension_numbers<[1], [0], [0], [1], [0, 0, 1, 1], [], []>, transpose_lhs_hint = false} : vector<1256x64xf32>, vector<64x128xf32>, vector<1256x128xf32> -> vector<1256x128xf32>
    %add3A_79 = arith.addf %add3A_65, %dot_general3A_78 : vector<1256x128xf32>
    %get3A_80 = arith.constant 6 : index
    %get3A_81 = arith.constant 0 : index
    %get3A_82 = arith.constant 0 : index
    %get3A_83 = arith.constant 0 : index
    %get3A_84 = vector.load %arg2[%get3A_80, %get3A_81, %get3A_82, %get3A_83] : memref<16x1x1256x64xf32, #tpu.memory_space<vmem>>, vector<1x1x1256x64xf32>
    %get3A_85 = vector.shape_cast %get3A_84 : vector<1x1x1256x64xf32> to vector<1256x64xf32>
    %get3A_86 = arith.constant 6 : index
    %get3A_87 = arith.constant 0 : index
    %get3A_88 = arith.constant 0 : index
    %get3A_89 = vector.load %arg3[%get3A_86, %get3A_87, %get3A_88] : memref<16x64x128xf32, #tpu.memory_space<vmem>>, vector<1x64x128xf32>
    %get3A_90 = vector.shape_cast %get3A_89 : vector<1x64x128xf32> to vector<64x128xf32>
    %dot_general3A_91 = arith.constant dense<0.000000e+00> : vector<1256x128xf32>
    %dot_general3A_92 = tpu.matmul %get3A_85, %get3A_90, %dot_general3A_91 {dimension_numbers = #tpu.dot_dimension_numbers<[1], [0], [0], [1], [0, 0, 1, 1], [], []>, transpose_lhs_hint = false} : vector<1256x64xf32>, vector<64x128xf32>, vector<1256x128xf32> -> vector<1256x128xf32>
    %add3A_93 = arith.addf %add3A_79, %dot_general3A_92 : vector<1256x128xf32>
    %get3A_94 = arith.constant 7 : index
    %get3A_95 = arith.constant 0 : index
    %get3A_96 = arith.constant 0 : index
    %get3A_97 = arith.constant 0 : index
    %get3A_98 = vector.load %arg2[%get3A_94, %get3A_95, %get3A_96, %get3A_97] : memref<16x1x1256x64xf32, #tpu.memory_space<vmem>>, vector<1x1x1256x64xf32>
    %get3A_99 = vector.shape_cast %get3A_98 : vector<1x1x1256x64xf32> to vector<1256x64xf32>
    %get3A_100 = arith.constant 7 : index
    %get3A_101 = arith.constant 0 : index
    %get3A_102 = arith.constant 0 : index
    %get3A_103 = vector.load %arg3[%get3A_100, %get3A_101, %get3A_102] : memref<16x64x128xf32, #tpu.memory_space<vmem>>, vector<1x64x128xf32>
    %get3A_104 = vector.shape_cast %get3A_103 : vector<1x64x128xf32> to vector<64x128xf32>
    %dot_general3A_105 = arith.constant dense<0.000000e+00> : vector<1256x128xf32>
    %dot_general3A_106 = tpu.matmul %get3A_99, %get3A_104, %dot_general3A_105 {dimension_numbers = #tpu.dot_dimension_numbers<[1], [0], [0], [1], [0, 0, 1, 1], [], []>, transpose_lhs_hint = false} : vector<1256x64xf32>, vector<64x128xf32>, vector<1256x128xf32> -> vector<1256x128xf32>
    %add3A_107 = arith.addf %add3A_93, %dot_general3A_106 : vector<1256x128xf32>
    %get3A_108 = arith.constant 8 : index
    %get3A_109 = arith.constant 0 : index
    %get3A_110 = arith.constant 0 : index
    %get3A_111 = arith.constant 0 : index
    %get3A_112 = vector.load %arg2[%get3A_108, %get3A_109, %get3A_110, %get3A_111] : memref<16x1x1256x64xf32, #tpu.memory_space<vmem>>, vector<1x1x1256x64xf32>
    %get3A_113 = vector.shape_cast %get3A_112 : vector<1x1x1256x64xf32> to vector<1256x64xf32>
    %get3A_114 = arith.constant 8 : index
    %get3A_115 = arith.constant 0 : index
    %get3A_116 = arith.constant 0 : index
    %get3A_117 = vector.load %arg3[%get3A_114, %get3A_115, %get3A_116] : memref<16x64x128xf32, #tpu.memory_space<vmem>>, vector<1x64x128xf32>
    %get3A_118 = vector.shape_cast %get3A_117 : vector<1x64x128xf32> to vector<64x128xf32>
    %dot_general3A_119 = arith.constant dense<0.000000e+00> : vector<1256x128xf32>
    %dot_general3A_120 = tpu.matmul %get3A_113, %get3A_118, %dot_general3A_119 {dimension_numbers = #tpu.dot_dimension_numbers<[1], [0], [0], [1], [0, 0, 1, 1], [], []>, transpose_lhs_hint = false} : vector<1256x64xf32>, vector<64x128xf32>, vector<1256x128xf32> -> vector<1256x128xf32>
    %add3A_121 = arith.addf %add3A_107, %dot_general3A_120 : vector<1256x128xf32>
    %get3A_122 = arith.constant 9 : index
    %get3A_123 = arith.constant 0 : index
    %get3A_124 = arith.constant 0 : index
    %get3A_125 = arith.constant 0 : index
    %get3A_126 = vector.load %arg2[%get3A_122, %get3A_123, %get3A_124, %get3A_125] : memref<16x1x1256x64xf32, #tpu.memory_space<vmem>>, vector<1x1x1256x64xf32>
    %get3A_127 = vector.shape_cast %get3A_126 : vector<1x1x1256x64xf32> to vector<1256x64xf32>
    %get3A_128 = arith.constant 9 : index
    %get3A_129 = arith.constant 0 : index
    %get3A_130 = arith.constant 0 : index
    %get3A_131 = vector.load %arg3[%get3A_128, %get3A_129, %get3A_130] : memref<16x64x128xf32, #tpu.memory_space<vmem>>, vector<1x64x128xf32>
    %get3A_132 = vector.shape_cast %get3A_131 : vector<1x64x128xf32> to vector<64x128xf32>
    %dot_general3A_133 = arith.constant dense<0.000000e+00> : vector<1256x128xf32>
    %dot_general3A_134 = tpu.matmul %get3A_127, %get3A_132, %dot_general3A_133 {dimension_numbers = #tpu.dot_dimension_numbers<[1], [0], [0], [1], [0, 0, 1, 1], [], []>, transpose_lhs_hint = false} : vector<1256x64xf32>, vector<64x128xf32>, vector<1256x128xf32> -> vector<1256x128xf32>
    %add3A_135 = arith.addf %add3A_121, %dot_general3A_134 : vector<1256x128xf32>
    %get3A_136 = arith.constant 10 : index
    %get3A_137 = arith.constant 0 : index
    %get3A_138 = arith.constant 0 : index
    %get3A_139 = arith.constant 0 : index
    %get3A_140 = vector.load %arg2[%get3A_136, %get3A_137, %get3A_138, %get3A_139] : memref<16x1x1256x64xf32, #tpu.memory_space<vmem>>, vector<1x1x1256x64xf32>
    %get3A_141 = vector.shape_cast %get3A_140 : vector<1x1x1256x64xf32> to vector<1256x64xf32>
    %get3A_142 = arith.constant 10 : index
    %get3A_143 = arith.constant 0 : index
    %get3A_144 = arith.constant 0 : index
    %get3A_145 = vector.load %arg3[%get3A_142, %get3A_143, %get3A_144] : memref<16x64x128xf32, #tpu.memory_space<vmem>>, vector<1x64x128xf32>
    %get3A_146 = vector.shape_cast %get3A_145 : vector<1x64x128xf32> to vector<64x128xf32>
    %dot_general3A_147 = arith.constant dense<0.000000e+00> : vector<1256x128xf32>
    %dot_general3A_148 = tpu.matmul %get3A_141, %get3A_146, %dot_general3A_147 {dimension_numbers = #tpu.dot_dimension_numbers<[1], [0], [0], [1], [0, 0, 1, 1], [], []>, transpose_lhs_hint = false} : vector<1256x64xf32>, vector<64x128xf32>, vector<1256x128xf32> -> vector<1256x128xf32>
    %add3A_149 = arith.addf %add3A_135, %dot_general3A_148 : vector<1256x128xf32>
    %get3A_150 = arith.constant 11 : index
    %get3A_151 = arith.constant 0 : index
    %get3A_152 = arith.constant 0 : index
    %get3A_153 = arith.constant 0 : index
    %get3A_154 = vector.load %arg2[%get3A_150, %get3A_151, %get3A_152, %get3A_153] : memref<16x1x1256x64xf32, #tpu.memory_space<vmem>>, vector<1x1x1256x64xf32>
    %get3A_155 = vector.shape_cast %get3A_154 : vector<1x1x1256x64xf32> to vector<1256x64xf32>
    %get3A_156 = arith.constant 11 : index
    %get3A_157 = arith.constant 0 : index
    %get3A_158 = arith.constant 0 : index
    %get3A_159 = vector.load %arg3[%get3A_156, %get3A_157, %get3A_158] : memref<16x64x128xf32, #tpu.memory_space<vmem>>, vector<1x64x128xf32>
    %get3A_160 = vector.shape_cast %get3A_159 : vector<1x64x128xf32> to vector<64x128xf32>
    %dot_general3A_161 = arith.constant dense<0.000000e+00> : vector<1256x128xf32>
    %dot_general3A_162 = tpu.matmul %get3A_155, %get3A_160, %dot_general3A_161 {dimension_numbers = #tpu.dot_dimension_numbers<[1], [0], [0], [1], [0, 0, 1, 1], [], []>, transpose_lhs_hint = false} : vector<1256x64xf32>, vector<64x128xf32>, vector<1256x128xf32> -> vector<1256x128xf32>
    %add3A_163 = arith.addf %add3A_149, %dot_general3A_162 : vector<1256x128xf32>
    %get3A_164 = arith.constant 12 : index
    %get3A_165 = arith.constant 0 : index
    %get3A_166 = arith.constant 0 : index
    %get3A_167 = arith.constant 0 : index
    %get3A_168 = vector.load %arg2[%get3A_164, %get3A_165, %get3A_166, %get3A_167] : memref<16x1x1256x64xf32, #tpu.memory_space<vmem>>, vector<1x1x1256x64xf32>
    %get3A_169 = vector.shape_cast %get3A_168 : vector<1x1x1256x64xf32> to vector<1256x64xf32>
    %get3A_170 = arith.constant 12 : index
    %get3A_171 = arith.constant 0 : index
    %get3A_172 = arith.constant 0 : index
    %get3A_173 = vector.load %arg3[%get3A_170, %get3A_171, %get3A_172] : memref<16x64x128xf32, #tpu.memory_space<vmem>>, vector<1x64x128xf32>
    %get3A_174 = vector.shape_cast %get3A_173 : vector<1x64x128xf32> to vector<64x128xf32>
    %dot_general3A_175 = arith.constant dense<0.000000e+00> : vector<1256x128xf32>
    %dot_general3A_176 = tpu.matmul %get3A_169, %get3A_174, %dot_general3A_175 {dimension_numbers = #tpu.dot_dimension_numbers<[1], [0], [0], [1], [0, 0, 1, 1], [], []>, transpose_lhs_hint = false} : vector<1256x64xf32>, vector<64x128xf32>, vector<1256x128xf32> -> vector<1256x128xf32>
    %add3A_177 = arith.addf %add3A_163, %dot_general3A_176 : vector<1256x128xf32>
    %get3A_178 = arith.constant 13 : index
    %get3A_179 = arith.constant 0 : index
    %get3A_180 = arith.constant 0 : index
    %get3A_181 = arith.constant 0 : index
    %get3A_182 = vector.load %arg2[%get3A_178, %get3A_179, %get3A_180, %get3A_181] : memref<16x1x1256x64xf32, #tpu.memory_space<vmem>>, vector<1x1x1256x64xf32>
    %get3A_183 = vector.shape_cast %get3A_182 : vector<1x1x1256x64xf32> to vector<1256x64xf32>
    %get3A_184 = arith.constant 13 : index
    %get3A_185 = arith.constant 0 : index
    %get3A_186 = arith.constant 0 : index
    %get3A_187 = vector.load %arg3[%get3A_184, %get3A_185, %get3A_186] : memref<16x64x128xf32, #tpu.memory_space<vmem>>, vector<1x64x128xf32>
    %get3A_188 = vector.shape_cast %get3A_187 : vector<1x64x128xf32> to vector<64x128xf32>
    %dot_general3A_189 = arith.constant dense<0.000000e+00> : vector<1256x128xf32>
    %dot_general3A_190 = tpu.matmul %get3A_183, %get3A_188, %dot_general3A_189 {dimension_numbers = #tpu.dot_dimension_numbers<[1], [0], [0], [1], [0, 0, 1, 1], [], []>, transpose_lhs_hint = false} : vector<1256x64xf32>, vector<64x128xf32>, vector<1256x128xf32> -> vector<1256x128xf32>
    %add3A_191 = arith.addf %add3A_177, %dot_general3A_190 : vector<1256x128xf32>
    %get3A_192 = arith.constant 14 : index
    %get3A_193 = arith.constant 0 : index
    %get3A_194 = arith.constant 0 : index
    %get3A_195 = arith.constant 0 : index
    %get3A_196 = vector.load %arg2[%get3A_192, %get3A_193, %get3A_194, %get3A_195] : memref<16x1x1256x64xf32, #tpu.memory_space<vmem>>, vector<1x1x1256x64xf32>
    %get3A_197 = vector.shape_cast %get3A_196 : vector<1x1x1256x64xf32> to vector<1256x64xf32>
    %get3A_198 = arith.constant 14 : index
    %get3A_199 = arith.constant 0 : index
    %get3A_200 = arith.constant 0 : index
    %get3A_201 = vector.load %arg3[%get3A_198, %get3A_199, %get3A_200] : memref<16x64x128xf32, #tpu.memory_space<vmem>>, vector<1x64x128xf32>
    %get3A_202 = vector.shape_cast %get3A_201 : vector<1x64x128xf32> to vector<64x128xf32>
    %dot_general3A_203 = arith.constant dense<0.000000e+00> : vector<1256x128xf32>
    %dot_general3A_204 = tpu.matmul %get3A_197, %get3A_202, %dot_general3A_203 {dimension_numbers = #tpu.dot_dimension_numbers<[1], [0], [0], [1], [0, 0, 1, 1], [], []>, transpose_lhs_hint = false} : vector<1256x64xf32>, vector<64x128xf32>, vector<1256x128xf32> -> vector<1256x128xf32>
    %add3A_205 = arith.addf %add3A_191, %dot_general3A_204 : vector<1256x128xf32>
    %get3A_206 = arith.constant 15 : index
    %get3A_207 = arith.constant 0 : index
    %get3A_208 = arith.constant 0 : index
    %get3A_209 = arith.constant 0 : index
    %get3A_210 = vector.load %arg2[%get3A_206, %get3A_207, %get3A_208, %get3A_209] : memref<16x1x1256x64xf32, #tpu.memory_space<vmem>>, vector<1x1x1256x64xf32>
    %get3A_211 = vector.shape_cast %get3A_210 : vector<1x1x1256x64xf32> to vector<1256x64xf32>
    %get3A_212 = arith.constant 15 : index
    %get3A_213 = arith.constant 0 : index
    %get3A_214 = arith.constant 0 : index
    %get3A_215 = vector.load %arg3[%get3A_212, %get3A_213, %get3A_214] : memref<16x64x128xf32, #tpu.memory_space<vmem>>, vector<1x64x128xf32>
    %get3A_216 = vector.shape_cast %get3A_215 : vector<1x64x128xf32> to vector<64x128xf32>
    %dot_general3A_217 = arith.constant dense<0.000000e+00> : vector<1256x128xf32>
    %dot_general3A_218 = tpu.matmul %get3A_211, %get3A_216, %dot_general3A_217 {dimension_numbers = #tpu.dot_dimension_numbers<[1], [0], [0], [1], [0, 0, 1, 1], [], []>, transpose_lhs_hint = false} : vector<1256x64xf32>, vector<64x128xf32>, vector<1256x128xf32> -> vector<1256x128xf32>
    %add3A_219 = arith.addf %add3A_205, %dot_general3A_218 : vector<1256x128xf32>
    %get3A_220 = arith.constant 0 : index
    %get3A_221 = arith.constant 0 : index
    %get3A_222 = vector.load %arg4[%get3A_220, %get3A_221] : memref<1x128xf32, #tpu.memory_space<vmem>>, vector<1x128xf32>
    %get3A_223 = vector.shape_cast %get3A_222 : vector<1x128xf32> to vector<128xf32>
    %broadcast_in_dim3A = vector.shape_cast %get3A_223 : vector<128xf32> to vector<1x128xf32>
    %add3A_224 = vector.broadcast %broadcast_in_dim3A : vector<1x128xf32> to vector<1256x128xf32>
    %add3A_225 = arith.addf %add3A_219, %add3A_224 : vector<1256x128xf32>
    %gt3A = arith.constant 0.000000e+00 : f32
    %gt3A_226 = vector.broadcast %gt3A : f32 to vector<1256x128xf32>
    %gt3A_227 = arith.cmpf ogt, %add3A_225, %gt3A_226 : vector<1256x128xf32>
    %exp3A = math.exp %add3A_225 : vector<1256x128xf32>
    %sub3A = arith.constant 1.000000e+00 : f32
    %sub3A_228 = vector.broadcast %sub3A : f32 to vector<1256x128xf32>
    %sub3A_229 = arith.subf %exp3A, %sub3A_228 : vector<1256x128xf32>
    %select_n3A = arith.select %gt3A_227, %add3A_225, %sub3A_229 : vector<1256x128xi1>, vector<1256x128xf32>
    %mul3A = arith.constant 1256 : i32
    %mul3A_230 = arith.muli %arg1, %mul3A : i32
    %iota3A = tpu.iota {dimensions = array<i32: 0>} : vector<1256x1xi32>
    %add3A_231 = vector.broadcast %mul3A_230 : i32 to vector<1256x1xi32>
    %add3A_232 = arith.addi %add3A_231, %iota3A : vector<1256x1xi32>
    %eq3A = arith.constant 5023 : i32
    %eq3A_233 = vector.broadcast %eq3A : i32 to vector<1256x1xi32>
    %eq3A_234 = arith.cmpi eq, %add3A_232, %eq3A_233 : vector<1256x1xi32>
    %jit3A = arith.constant 0.000000e+00 : f32
    %broadcast_in_dim3A_235 = vector.shape_cast %eq3A_234 : vector<1256x1xi1> to vector<1256x1xi1>
    %broadcast_in_dim3A_236 = vector.broadcast %broadcast_in_dim3A_235 : vector<1256x1xi1> to vector<1256x128xi1>
    %broadcast_in_dim3A_237 = vector.broadcast %jit3A : f32 to vector<1256x128xf32>
    %select_n3A_238 = arith.select %broadcast_in_dim3A_236, %broadcast_in_dim3A_237, %select_n3A : vector<1256x128xi1>, vector<1256x128xf32>
    %swap3A = arith.constant 0 : index
    %swap3A_239 = arith.constant 0 : index
    %swap3A_240 = arith.constant 0 : index
    %swap3A_241 = vector.load %arg5[%swap3A, %swap3A_239, %swap3A_240] : memref<1x1256x128xf32, #tpu.memory_space<vmem>>, vector<1x1256x128xf32>
    %swap3A_242 = vector.shape_cast %swap3A_241 : vector<1x1256x128xf32> to vector<1256x128xf32>
    %swap3A_243 = vector.shape_cast %select_n3A_238 : vector<1256x128xf32> to vector<1x1256x128xf32>
    tpu.vector_store %arg5[%swap3A, %swap3A_239, %swap3A_240], %swap3A_243 {strides = array<i32>} : memref<1x1256x128xf32, #tpu.memory_space<vmem>>, vector<1x1256x128xf32>,
    return
  }
  func.func @transform_0(%arg0: i32, %arg1: i32) -> (i32, i32, i32, i32) {
    %c0_i32 = arith.constant 0 : i32
    %c0_i32_0 = arith.constant 0 : i32
    %c0_i32_1 = arith.constant 0 : i32
    return %c0_i32, %arg0, %arg1, %c0_i32_0 : i32, i32, i32, i32
  }
  func.func @transform_1(%arg0: i32, %arg1: i32) -> (i32, i32, i32) {
    %c0_i32 = arith.constant 0 : i32
    %c0_i32_0 = arith.constant 0 : i32
    %c0_i32_1 = arith.constant 0 : i32
    %c0_i32_2 = arith.constant 0 : i32
    return %c0_i32, %c0_i32_0, %c0_i32_1 : i32, i32, i32
  }
  func.func @transform_2(%arg0: i32, %arg1: i32) -> (i32, i32) {
    %c0_i32 = arith.constant 0 : i32
    %c0_i32_0 = arith.constant 0 : i32
    %c0_i32_1 = arith.constant 0 : i32
    return %c0_i32, %c0_i32_0 : i32, i32
  }
  func.func @transform_3(%arg0: i32, %arg1: i32) -> (i32, i32, i32) {
    %c0_i32 = arith.constant 0 : i32
    %c0_i32_0 = arith.constant 0 : i32
    return %arg0, %arg1, %c0_i32 : i32, i32, i32
  }
}

module attributes {stable_mosaic.version = 14 : i64} {
  func.func @body(%arg0: i32, %arg1: memref<128x5024xf32, #tpu.memory_space<vmem>>, %arg2: memref<8x5024x128xf32, #tpu.memory_space<vmem>>, %arg3: memref<8x128x128xf32, #tpu.memory_space<vmem>>) attributes {dimension_semantics = [#tpu.dimension_semantics<arbitrary>], iteration_bounds = array<i64: 10>, scalar_prefetch = 0 : i64, scratch_operands = 0 : i64, tpu.core_type = #tpu.core_type<tc>, window_params = [{transform_indices = @transform_0, window_bounds = array<i64: 128, 5024>}, {pipeline_mode = #tpu.pipeline_mode<synchronous>, transform_indices = @transform_1, window_bounds = array<i64: 8, 5024, 128>}, {transform_indices = @transform_2, window_bounds = array<i64: 8, 128, 128>}]} {
    %get3A = arith.constant 0 : index
    %get3A_0 = arith.constant 0 : index
    %get3A_1 = vector.load %arg1[%get3A, %get3A_0] : memref<128x5024xf32, #tpu.memory_space<vmem>>, vector<128x5024xf32>
    %get3A_2 = arith.constant 0 : index
    %get3A_3 = arith.constant 0 : index
    %get3A_4 = arith.constant 0 : index
    %get3A_5 = vector.load %arg2[%get3A_2, %get3A_3, %get3A_4] : memref<8x5024x128xf32, #tpu.memory_space<vmem>>, vector<1x5024x128xf32>
    %get3A_6 = vector.shape_cast %get3A_5 : vector<1x5024x128xf32> to vector<5024x128xf32>
    %dot_general3A = arith.constant dense<0.000000e+00> : vector<128x128xf32>
    %dot_general3A_7 = tpu.matmul %get3A_1, %get3A_6, %dot_general3A {dimension_numbers = #tpu.dot_dimension_numbers<[1], [0], [0], [1], [0, 0, 1, 1], [], []>, transpose_lhs_hint = false} : vector<128x5024xf32>, vector<5024x128xf32>, vector<128x128xf32> -> vector<128x128xf32>
    %swap3A = arith.constant 0 : index
    %swap3A_8 = arith.constant 0 : index
    %swap3A_9 = arith.constant 0 : index
    %swap3A_10 = vector.load %arg3[%swap3A, %swap3A_8, %swap3A_9] : memref<8x128x128xf32, #tpu.memory_space<vmem>>, vector<1x128x128xf32>
    %swap3A_11 = vector.shape_cast %swap3A_10 : vector<1x128x128xf32> to vector<128x128xf32>
    %swap3A_12 = vector.shape_cast %dot_general3A_7 : vector<128x128xf32> to vector<1x128x128xf32>
    tpu.vector_store %arg3[%swap3A, %swap3A_8, %swap3A_9], %swap3A_12 {strides = array<i32>} : memref<8x128x128xf32, #tpu.memory_space<vmem>>, vector<1x128x128xf32>,
    %get3A_13 = arith.constant 0 : index
    %get3A_14 = arith.constant 0 : index
    %get3A_15 = vector.load %arg1[%get3A_13, %get3A_14] : memref<128x5024xf32, #tpu.memory_space<vmem>>, vector<128x5024xf32>
    %get3A_16 = arith.constant 1 : index
    %get3A_17 = arith.constant 0 : index
    %get3A_18 = arith.constant 0 : index
    %get3A_19 = vector.load %arg2[%get3A_16, %get3A_17, %get3A_18] : memref<8x5024x128xf32, #tpu.memory_space<vmem>>, vector<1x5024x128xf32>
    %get3A_20 = vector.shape_cast %get3A_19 : vector<1x5024x128xf32> to vector<5024x128xf32>
    %dot_general3A_21 = arith.constant dense<0.000000e+00> : vector<128x128xf32>
    %dot_general3A_22 = tpu.matmul %get3A_15, %get3A_20, %dot_general3A_21 {dimension_numbers = #tpu.dot_dimension_numbers<[1], [0], [0], [1], [0, 0, 1, 1], [], []>, transpose_lhs_hint = false} : vector<128x5024xf32>, vector<5024x128xf32>, vector<128x128xf32> -> vector<128x128xf32>
    %swap3A_23 = arith.constant 1 : index
    %swap3A_24 = arith.constant 0 : index
    %swap3A_25 = arith.constant 0 : index
    %swap3A_26 = vector.load %arg3[%swap3A_23, %swap3A_24, %swap3A_25] : memref<8x128x128xf32, #tpu.memory_space<vmem>>, vector<1x128x128xf32>
    %swap3A_27 = vector.shape_cast %swap3A_26 : vector<1x128x128xf32> to vector<128x128xf32>
    %swap3A_28 = vector.shape_cast %dot_general3A_22 : vector<128x128xf32> to vector<1x128x128xf32>
    tpu.vector_store %arg3[%swap3A_23, %swap3A_24, %swap3A_25], %swap3A_28 {strides = array<i32>} : memref<8x128x128xf32, #tpu.memory_space<vmem>>, vector<1x128x128xf32>,
    %get3A_29 = arith.constant 0 : index
    %get3A_30 = arith.constant 0 : index
    %get3A_31 = vector.load %arg1[%get3A_29, %get3A_30] : memref<128x5024xf32, #tpu.memory_space<vmem>>, vector<128x5024xf32>
    %get3A_32 = arith.constant 2 : index
    %get3A_33 = arith.constant 0 : index
    %get3A_34 = arith.constant 0 : index
    %get3A_35 = vector.load %arg2[%get3A_32, %get3A_33, %get3A_34] : memref<8x5024x128xf32, #tpu.memory_space<vmem>>, vector<1x5024x128xf32>
    %get3A_36 = vector.shape_cast %get3A_35 : vector<1x5024x128xf32> to vector<5024x128xf32>
    %dot_general3A_37 = arith.constant dense<0.000000e+00> : vector<128x128xf32>
    %dot_general3A_38 = tpu.matmul %get3A_31, %get3A_36, %dot_general3A_37 {dimension_numbers = #tpu.dot_dimension_numbers<[1], [0], [0], [1], [0, 0, 1, 1], [], []>, transpose_lhs_hint = false} : vector<128x5024xf32>, vector<5024x128xf32>, vector<128x128xf32> -> vector<128x128xf32>
    %swap3A_39 = arith.constant 2 : index
    %swap3A_40 = arith.constant 0 : index
    %swap3A_41 = arith.constant 0 : index
    %swap3A_42 = vector.load %arg3[%swap3A_39, %swap3A_40, %swap3A_41] : memref<8x128x128xf32, #tpu.memory_space<vmem>>, vector<1x128x128xf32>
    %swap3A_43 = vector.shape_cast %swap3A_42 : vector<1x128x128xf32> to vector<128x128xf32>
    %swap3A_44 = vector.shape_cast %dot_general3A_38 : vector<128x128xf32> to vector<1x128x128xf32>
    tpu.vector_store %arg3[%swap3A_39, %swap3A_40, %swap3A_41], %swap3A_44 {strides = array<i32>} : memref<8x128x128xf32, #tpu.memory_space<vmem>>, vector<1x128x128xf32>,
    %get3A_45 = arith.constant 0 : index
    %get3A_46 = arith.constant 0 : index
    %get3A_47 = vector.load %arg1[%get3A_45, %get3A_46] : memref<128x5024xf32, #tpu.memory_space<vmem>>, vector<128x5024xf32>
    %get3A_48 = arith.constant 3 : index
    %get3A_49 = arith.constant 0 : index
    %get3A_50 = arith.constant 0 : index
    %get3A_51 = vector.load %arg2[%get3A_48, %get3A_49, %get3A_50] : memref<8x5024x128xf32, #tpu.memory_space<vmem>>, vector<1x5024x128xf32>
    %get3A_52 = vector.shape_cast %get3A_51 : vector<1x5024x128xf32> to vector<5024x128xf32>
    %dot_general3A_53 = arith.constant dense<0.000000e+00> : vector<128x128xf32>
    %dot_general3A_54 = tpu.matmul %get3A_47, %get3A_52, %dot_general3A_53 {dimension_numbers = #tpu.dot_dimension_numbers<[1], [0], [0], [1], [0, 0, 1, 1], [], []>, transpose_lhs_hint = false} : vector<128x5024xf32>, vector<5024x128xf32>, vector<128x128xf32> -> vector<128x128xf32>
    %swap3A_55 = arith.constant 3 : index
    %swap3A_56 = arith.constant 0 : index
    %swap3A_57 = arith.constant 0 : index
    %swap3A_58 = vector.load %arg3[%swap3A_55, %swap3A_56, %swap3A_57] : memref<8x128x128xf32, #tpu.memory_space<vmem>>, vector<1x128x128xf32>
    %swap3A_59 = vector.shape_cast %swap3A_58 : vector<1x128x128xf32> to vector<128x128xf32>
    %swap3A_60 = vector.shape_cast %dot_general3A_54 : vector<128x128xf32> to vector<1x128x128xf32>
    tpu.vector_store %arg3[%swap3A_55, %swap3A_56, %swap3A_57], %swap3A_60 {strides = array<i32>} : memref<8x128x128xf32, #tpu.memory_space<vmem>>, vector<1x128x128xf32>,
    %get3A_61 = arith.constant 0 : index
    %get3A_62 = arith.constant 0 : index
    %get3A_63 = vector.load %arg1[%get3A_61, %get3A_62] : memref<128x5024xf32, #tpu.memory_space<vmem>>, vector<128x5024xf32>
    %get3A_64 = arith.constant 4 : index
    %get3A_65 = arith.constant 0 : index
    %get3A_66 = arith.constant 0 : index
    %get3A_67 = vector.load %arg2[%get3A_64, %get3A_65, %get3A_66] : memref<8x5024x128xf32, #tpu.memory_space<vmem>>, vector<1x5024x128xf32>
    %get3A_68 = vector.shape_cast %get3A_67 : vector<1x5024x128xf32> to vector<5024x128xf32>
    %dot_general3A_69 = arith.constant dense<0.000000e+00> : vector<128x128xf32>
    %dot_general3A_70 = tpu.matmul %get3A_63, %get3A_68, %dot_general3A_69 {dimension_numbers = #tpu.dot_dimension_numbers<[1], [0], [0], [1], [0, 0, 1, 1], [], []>, transpose_lhs_hint = false} : vector<128x5024xf32>, vector<5024x128xf32>, vector<128x128xf32> -> vector<128x128xf32>
    %swap3A_71 = arith.constant 4 : index
    %swap3A_72 = arith.constant 0 : index
    %swap3A_73 = arith.constant 0 : index
    %swap3A_74 = vector.load %arg3[%swap3A_71, %swap3A_72, %swap3A_73] : memref<8x128x128xf32, #tpu.memory_space<vmem>>, vector<1x128x128xf32>
    %swap3A_75 = vector.shape_cast %swap3A_74 : vector<1x128x128xf32> to vector<128x128xf32>
    %swap3A_76 = vector.shape_cast %dot_general3A_70 : vector<128x128xf32> to vector<1x128x128xf32>
    tpu.vector_store %arg3[%swap3A_71, %swap3A_72, %swap3A_73], %swap3A_76 {strides = array<i32>} : memref<8x128x128xf32, #tpu.memory_space<vmem>>, vector<1x128x128xf32>,
    %get3A_77 = arith.constant 0 : index
    %get3A_78 = arith.constant 0 : index
    %get3A_79 = vector.load %arg1[%get3A_77, %get3A_78] : memref<128x5024xf32, #tpu.memory_space<vmem>>, vector<128x5024xf32>
    %get3A_80 = arith.constant 5 : index
    %get3A_81 = arith.constant 0 : index
    %get3A_82 = arith.constant 0 : index
    %get3A_83 = vector.load %arg2[%get3A_80, %get3A_81, %get3A_82] : memref<8x5024x128xf32, #tpu.memory_space<vmem>>, vector<1x5024x128xf32>
    %get3A_84 = vector.shape_cast %get3A_83 : vector<1x5024x128xf32> to vector<5024x128xf32>
    %dot_general3A_85 = arith.constant dense<0.000000e+00> : vector<128x128xf32>
    %dot_general3A_86 = tpu.matmul %get3A_79, %get3A_84, %dot_general3A_85 {dimension_numbers = #tpu.dot_dimension_numbers<[1], [0], [0], [1], [0, 0, 1, 1], [], []>, transpose_lhs_hint = false} : vector<128x5024xf32>, vector<5024x128xf32>, vector<128x128xf32> -> vector<128x128xf32>
    %swap3A_87 = arith.constant 5 : index
    %swap3A_88 = arith.constant 0 : index
    %swap3A_89 = arith.constant 0 : index
    %swap3A_90 = vector.load %arg3[%swap3A_87, %swap3A_88, %swap3A_89] : memref<8x128x128xf32, #tpu.memory_space<vmem>>, vector<1x128x128xf32>
    %swap3A_91 = vector.shape_cast %swap3A_90 : vector<1x128x128xf32> to vector<128x128xf32>
    %swap3A_92 = vector.shape_cast %dot_general3A_86 : vector<128x128xf32> to vector<1x128x128xf32>
    tpu.vector_store %arg3[%swap3A_87, %swap3A_88, %swap3A_89], %swap3A_92 {strides = array<i32>} : memref<8x128x128xf32, #tpu.memory_space<vmem>>, vector<1x128x128xf32>,
    %get3A_93 = arith.constant 0 : index
    %get3A_94 = arith.constant 0 : index
    %get3A_95 = vector.load %arg1[%get3A_93, %get3A_94] : memref<128x5024xf32, #tpu.memory_space<vmem>>, vector<128x5024xf32>
    %get3A_96 = arith.constant 6 : index
    %get3A_97 = arith.constant 0 : index
    %get3A_98 = arith.constant 0 : index
    %get3A_99 = vector.load %arg2[%get3A_96, %get3A_97, %get3A_98] : memref<8x5024x128xf32, #tpu.memory_space<vmem>>, vector<1x5024x128xf32>
    %get3A_100 = vector.shape_cast %get3A_99 : vector<1x5024x128xf32> to vector<5024x128xf32>
    %dot_general3A_101 = arith.constant dense<0.000000e+00> : vector<128x128xf32>
    %dot_general3A_102 = tpu.matmul %get3A_95, %get3A_100, %dot_general3A_101 {dimension_numbers = #tpu.dot_dimension_numbers<[1], [0], [0], [1], [0, 0, 1, 1], [], []>, transpose_lhs_hint = false} : vector<128x5024xf32>, vector<5024x128xf32>, vector<128x128xf32> -> vector<128x128xf32>
    %swap3A_103 = arith.constant 6 : index
    %swap3A_104 = arith.constant 0 : index
    %swap3A_105 = arith.constant 0 : index
    %swap3A_106 = vector.load %arg3[%swap3A_103, %swap3A_104, %swap3A_105] : memref<8x128x128xf32, #tpu.memory_space<vmem>>, vector<1x128x128xf32>
    %swap3A_107 = vector.shape_cast %swap3A_106 : vector<1x128x128xf32> to vector<128x128xf32>
    %swap3A_108 = vector.shape_cast %dot_general3A_102 : vector<128x128xf32> to vector<1x128x128xf32>
    tpu.vector_store %arg3[%swap3A_103, %swap3A_104, %swap3A_105], %swap3A_108 {strides = array<i32>} : memref<8x128x128xf32, #tpu.memory_space<vmem>>, vector<1x128x128xf32>,
    %get3A_109 = arith.constant 0 : index
    %get3A_110 = arith.constant 0 : index
    %get3A_111 = vector.load %arg1[%get3A_109, %get3A_110] : memref<128x5024xf32, #tpu.memory_space<vmem>>, vector<128x5024xf32>
    %get3A_112 = arith.constant 7 : index
    %get3A_113 = arith.constant 0 : index
    %get3A_114 = arith.constant 0 : index
    %get3A_115 = vector.load %arg2[%get3A_112, %get3A_113, %get3A_114] : memref<8x5024x128xf32, #tpu.memory_space<vmem>>, vector<1x5024x128xf32>
    %get3A_116 = vector.shape_cast %get3A_115 : vector<1x5024x128xf32> to vector<5024x128xf32>
    %dot_general3A_117 = arith.constant dense<0.000000e+00> : vector<128x128xf32>
    %dot_general3A_118 = tpu.matmul %get3A_111, %get3A_116, %dot_general3A_117 {dimension_numbers = #tpu.dot_dimension_numbers<[1], [0], [0], [1], [0, 0, 1, 1], [], []>, transpose_lhs_hint = false} : vector<128x5024xf32>, vector<5024x128xf32>, vector<128x128xf32> -> vector<128x128xf32>
    %swap3A_119 = arith.constant 7 : index
    %swap3A_120 = arith.constant 0 : index
    %swap3A_121 = arith.constant 0 : index
    %swap3A_122 = vector.load %arg3[%swap3A_119, %swap3A_120, %swap3A_121] : memref<8x128x128xf32, #tpu.memory_space<vmem>>, vector<1x128x128xf32>
    %swap3A_123 = vector.shape_cast %swap3A_122 : vector<1x128x128xf32> to vector<128x128xf32>
    %swap3A_124 = vector.shape_cast %dot_general3A_118 : vector<128x128xf32> to vector<1x128x128xf32>
    tpu.vector_store %arg3[%swap3A_119, %swap3A_120, %swap3A_121], %swap3A_124 {strides = array<i32>} : memref<8x128x128xf32, #tpu.memory_space<vmem>>, vector<1x128x128xf32>,
    return
  }
  func.func @transform_0(%arg0: i32) -> (i32, i32) {
    %c0_i32 = arith.constant 0 : i32
    %c0_i32_0 = arith.constant 0 : i32
    return %arg0, %c0_i32 : i32, i32
  }
  func.func @transform_1(%arg0: i32) -> (i32, i32, i32) {
    %c0_i32 = arith.constant 0 : i32
    %c0_i32_0 = arith.constant 0 : i32
    %c0_i32_1 = arith.constant 0 : i32
    %c0_i32_2 = arith.constant 0 : i32
    return %c0_i32, %c0_i32_0, %c0_i32_1 : i32, i32, i32
  }
  func.func @transform_2(%arg0: i32) -> (i32, i32, i32) {
    %c0_i32 = arith.constant 0 : i32
    %c0_i32_0 = arith.constant 0 : i32
    %c0_i32_1 = arith.constant 0 : i32
    return %c0_i32, %arg0, %c0_i32_0 : i32, i32, i32
  }
}

module attributes {stable_mosaic.version = 14 : i64} {
  func.func @body(%arg0: i32, %arg1: i32, %arg2: memref<16x1x640x128xf32, #tpu.memory_space<vmem>>, %arg3: memref<16x128x256xf32, #tpu.memory_space<vmem>>, %arg4: memref<1x256xf32, #tpu.memory_space<vmem>>, %arg5: memref<1x640x256xf32, #tpu.memory_space<vmem>>) attributes {dimension_semantics = [#tpu.dimension_semantics<arbitrary>, #tpu.dimension_semantics<arbitrary>], iteration_bounds = array<i64: 8, 2>, scalar_prefetch = 0 : i64, scratch_operands = 0 : i64, tpu.core_type = #tpu.core_type<tc>, window_params = [{transform_indices = @transform_0, window_bounds = array<i64: 16, 1, 640, 128>}, {pipeline_mode = #tpu.pipeline_mode<synchronous>, transform_indices = @transform_1, window_bounds = array<i64: 16, 128, 256>}, {pipeline_mode = #tpu.pipeline_mode<synchronous>, transform_indices = @transform_2, window_bounds = array<i64: 1, 256>}, {transform_indices = @transform_3, window_bounds = array<i64: 1, 640, 256>}]} {
    %get3A = arith.constant 0 : index
    %get3A_0 = arith.constant 0 : index
    %get3A_1 = arith.constant 0 : index
    %get3A_2 = arith.constant 0 : index
    %get3A_3 = vector.load %arg2[%get3A, %get3A_0, %get3A_1, %get3A_2] : memref<16x1x640x128xf32, #tpu.memory_space<vmem>>, vector<1x1x640x128xf32>
    %get3A_4 = vector.shape_cast %get3A_3 : vector<1x1x640x128xf32> to vector<640x128xf32>
    %get3A_5 = arith.constant 0 : index
    %get3A_6 = arith.constant 0 : index
    %get3A_7 = arith.constant 0 : index
    %get3A_8 = vector.load %arg3[%get3A_5, %get3A_6, %get3A_7] : memref<16x128x256xf32, #tpu.memory_space<vmem>>, vector<1x128x256xf32>
    %get3A_9 = vector.shape_cast %get3A_8 : vector<1x128x256xf32> to vector<128x256xf32>
    %dot_general3A = arith.constant dense<0.000000e+00> : vector<640x256xf32>
    %dot_general3A_10 = tpu.matmul %get3A_4, %get3A_9, %dot_general3A {dimension_numbers = #tpu.dot_dimension_numbers<[1], [0], [0], [1], [0, 0, 1, 1], [], []>, transpose_lhs_hint = false} : vector<640x128xf32>, vector<128x256xf32>, vector<640x256xf32> -> vector<640x256xf32>
    %get3A_11 = arith.constant 1 : index
    %get3A_12 = arith.constant 0 : index
    %get3A_13 = arith.constant 0 : index
    %get3A_14 = arith.constant 0 : index
    %get3A_15 = vector.load %arg2[%get3A_11, %get3A_12, %get3A_13, %get3A_14] : memref<16x1x640x128xf32, #tpu.memory_space<vmem>>, vector<1x1x640x128xf32>
    %get3A_16 = vector.shape_cast %get3A_15 : vector<1x1x640x128xf32> to vector<640x128xf32>
    %get3A_17 = arith.constant 1 : index
    %get3A_18 = arith.constant 0 : index
    %get3A_19 = arith.constant 0 : index
    %get3A_20 = vector.load %arg3[%get3A_17, %get3A_18, %get3A_19] : memref<16x128x256xf32, #tpu.memory_space<vmem>>, vector<1x128x256xf32>
    %get3A_21 = vector.shape_cast %get3A_20 : vector<1x128x256xf32> to vector<128x256xf32>
    %dot_general3A_22 = arith.constant dense<0.000000e+00> : vector<640x256xf32>
    %dot_general3A_23 = tpu.matmul %get3A_16, %get3A_21, %dot_general3A_22 {dimension_numbers = #tpu.dot_dimension_numbers<[1], [0], [0], [1], [0, 0, 1, 1], [], []>, transpose_lhs_hint = false} : vector<640x128xf32>, vector<128x256xf32>, vector<640x256xf32> -> vector<640x256xf32>
    %add3A = arith.addf %dot_general3A_10, %dot_general3A_23 : vector<640x256xf32>
    %get3A_24 = arith.constant 2 : index
    %get3A_25 = arith.constant 0 : index
    %get3A_26 = arith.constant 0 : index
    %get3A_27 = arith.constant 0 : index
    %get3A_28 = vector.load %arg2[%get3A_24, %get3A_25, %get3A_26, %get3A_27] : memref<16x1x640x128xf32, #tpu.memory_space<vmem>>, vector<1x1x640x128xf32>
    %get3A_29 = vector.shape_cast %get3A_28 : vector<1x1x640x128xf32> to vector<640x128xf32>
    %get3A_30 = arith.constant 2 : index
    %get3A_31 = arith.constant 0 : index
    %get3A_32 = arith.constant 0 : index
    %get3A_33 = vector.load %arg3[%get3A_30, %get3A_31, %get3A_32] : memref<16x128x256xf32, #tpu.memory_space<vmem>>, vector<1x128x256xf32>
    %get3A_34 = vector.shape_cast %get3A_33 : vector<1x128x256xf32> to vector<128x256xf32>
    %dot_general3A_35 = arith.constant dense<0.000000e+00> : vector<640x256xf32>
    %dot_general3A_36 = tpu.matmul %get3A_29, %get3A_34, %dot_general3A_35 {dimension_numbers = #tpu.dot_dimension_numbers<[1], [0], [0], [1], [0, 0, 1, 1], [], []>, transpose_lhs_hint = false} : vector<640x128xf32>, vector<128x256xf32>, vector<640x256xf32> -> vector<640x256xf32>
    %add3A_37 = arith.addf %add3A, %dot_general3A_36 : vector<640x256xf32>
    %get3A_38 = arith.constant 3 : index
    %get3A_39 = arith.constant 0 : index
    %get3A_40 = arith.constant 0 : index
    %get3A_41 = arith.constant 0 : index
    %get3A_42 = vector.load %arg2[%get3A_38, %get3A_39, %get3A_40, %get3A_41] : memref<16x1x640x128xf32, #tpu.memory_space<vmem>>, vector<1x1x640x128xf32>
    %get3A_43 = vector.shape_cast %get3A_42 : vector<1x1x640x128xf32> to vector<640x128xf32>
    %get3A_44 = arith.constant 3 : index
    %get3A_45 = arith.constant 0 : index
    %get3A_46 = arith.constant 0 : index
    %get3A_47 = vector.load %arg3[%get3A_44, %get3A_45, %get3A_46] : memref<16x128x256xf32, #tpu.memory_space<vmem>>, vector<1x128x256xf32>
    %get3A_48 = vector.shape_cast %get3A_47 : vector<1x128x256xf32> to vector<128x256xf32>
    %dot_general3A_49 = arith.constant dense<0.000000e+00> : vector<640x256xf32>
    %dot_general3A_50 = tpu.matmul %get3A_43, %get3A_48, %dot_general3A_49 {dimension_numbers = #tpu.dot_dimension_numbers<[1], [0], [0], [1], [0, 0, 1, 1], [], []>, transpose_lhs_hint = false} : vector<640x128xf32>, vector<128x256xf32>, vector<640x256xf32> -> vector<640x256xf32>
    %add3A_51 = arith.addf %add3A_37, %dot_general3A_50 : vector<640x256xf32>
    %get3A_52 = arith.constant 4 : index
    %get3A_53 = arith.constant 0 : index
    %get3A_54 = arith.constant 0 : index
    %get3A_55 = arith.constant 0 : index
    %get3A_56 = vector.load %arg2[%get3A_52, %get3A_53, %get3A_54, %get3A_55] : memref<16x1x640x128xf32, #tpu.memory_space<vmem>>, vector<1x1x640x128xf32>
    %get3A_57 = vector.shape_cast %get3A_56 : vector<1x1x640x128xf32> to vector<640x128xf32>
    %get3A_58 = arith.constant 4 : index
    %get3A_59 = arith.constant 0 : index
    %get3A_60 = arith.constant 0 : index
    %get3A_61 = vector.load %arg3[%get3A_58, %get3A_59, %get3A_60] : memref<16x128x256xf32, #tpu.memory_space<vmem>>, vector<1x128x256xf32>
    %get3A_62 = vector.shape_cast %get3A_61 : vector<1x128x256xf32> to vector<128x256xf32>
    %dot_general3A_63 = arith.constant dense<0.000000e+00> : vector<640x256xf32>
    %dot_general3A_64 = tpu.matmul %get3A_57, %get3A_62, %dot_general3A_63 {dimension_numbers = #tpu.dot_dimension_numbers<[1], [0], [0], [1], [0, 0, 1, 1], [], []>, transpose_lhs_hint = false} : vector<640x128xf32>, vector<128x256xf32>, vector<640x256xf32> -> vector<640x256xf32>
    %add3A_65 = arith.addf %add3A_51, %dot_general3A_64 : vector<640x256xf32>
    %get3A_66 = arith.constant 5 : index
    %get3A_67 = arith.constant 0 : index
    %get3A_68 = arith.constant 0 : index
    %get3A_69 = arith.constant 0 : index
    %get3A_70 = vector.load %arg2[%get3A_66, %get3A_67, %get3A_68, %get3A_69] : memref<16x1x640x128xf32, #tpu.memory_space<vmem>>, vector<1x1x640x128xf32>
    %get3A_71 = vector.shape_cast %get3A_70 : vector<1x1x640x128xf32> to vector<640x128xf32>
    %get3A_72 = arith.constant 5 : index
    %get3A_73 = arith.constant 0 : index
    %get3A_74 = arith.constant 0 : index
    %get3A_75 = vector.load %arg3[%get3A_72, %get3A_73, %get3A_74] : memref<16x128x256xf32, #tpu.memory_space<vmem>>, vector<1x128x256xf32>
    %get3A_76 = vector.shape_cast %get3A_75 : vector<1x128x256xf32> to vector<128x256xf32>
    %dot_general3A_77 = arith.constant dense<0.000000e+00> : vector<640x256xf32>
    %dot_general3A_78 = tpu.matmul %get3A_71, %get3A_76, %dot_general3A_77 {dimension_numbers = #tpu.dot_dimension_numbers<[1], [0], [0], [1], [0, 0, 1, 1], [], []>, transpose_lhs_hint = false} : vector<640x128xf32>, vector<128x256xf32>, vector<640x256xf32> -> vector<640x256xf32>
    %add3A_79 = arith.addf %add3A_65, %dot_general3A_78 : vector<640x256xf32>
    %get3A_80 = arith.constant 6 : index
    %get3A_81 = arith.constant 0 : index
    %get3A_82 = arith.constant 0 : index
    %get3A_83 = arith.constant 0 : index
    %get3A_84 = vector.load %arg2[%get3A_80, %get3A_81, %get3A_82, %get3A_83] : memref<16x1x640x128xf32, #tpu.memory_space<vmem>>, vector<1x1x640x128xf32>
    %get3A_85 = vector.shape_cast %get3A_84 : vector<1x1x640x128xf32> to vector<640x128xf32>
    %get3A_86 = arith.constant 6 : index
    %get3A_87 = arith.constant 0 : index
    %get3A_88 = arith.constant 0 : index
    %get3A_89 = vector.load %arg3[%get3A_86, %get3A_87, %get3A_88] : memref<16x128x256xf32, #tpu.memory_space<vmem>>, vector<1x128x256xf32>
    %get3A_90 = vector.shape_cast %get3A_89 : vector<1x128x256xf32> to vector<128x256xf32>
    %dot_general3A_91 = arith.constant dense<0.000000e+00> : vector<640x256xf32>
    %dot_general3A_92 = tpu.matmul %get3A_85, %get3A_90, %dot_general3A_91 {dimension_numbers = #tpu.dot_dimension_numbers<[1], [0], [0], [1], [0, 0, 1, 1], [], []>, transpose_lhs_hint = false} : vector<640x128xf32>, vector<128x256xf32>, vector<640x256xf32> -> vector<640x256xf32>
    %add3A_93 = arith.addf %add3A_79, %dot_general3A_92 : vector<640x256xf32>
    %get3A_94 = arith.constant 7 : index
    %get3A_95 = arith.constant 0 : index
    %get3A_96 = arith.constant 0 : index
    %get3A_97 = arith.constant 0 : index
    %get3A_98 = vector.load %arg2[%get3A_94, %get3A_95, %get3A_96, %get3A_97] : memref<16x1x640x128xf32, #tpu.memory_space<vmem>>, vector<1x1x640x128xf32>
    %get3A_99 = vector.shape_cast %get3A_98 : vector<1x1x640x128xf32> to vector<640x128xf32>
    %get3A_100 = arith.constant 7 : index
    %get3A_101 = arith.constant 0 : index
    %get3A_102 = arith.constant 0 : index
    %get3A_103 = vector.load %arg3[%get3A_100, %get3A_101, %get3A_102] : memref<16x128x256xf32, #tpu.memory_space<vmem>>, vector<1x128x256xf32>
    %get3A_104 = vector.shape_cast %get3A_103 : vector<1x128x256xf32> to vector<128x256xf32>
    %dot_general3A_105 = arith.constant dense<0.000000e+00> : vector<640x256xf32>
    %dot_general3A_106 = tpu.matmul %get3A_99, %get3A_104, %dot_general3A_105 {dimension_numbers = #tpu.dot_dimension_numbers<[1], [0], [0], [1], [0, 0, 1, 1], [], []>, transpose_lhs_hint = false} : vector<640x128xf32>, vector<128x256xf32>, vector<640x256xf32> -> vector<640x256xf32>
    %add3A_107 = arith.addf %add3A_93, %dot_general3A_106 : vector<640x256xf32>
    %get3A_108 = arith.constant 8 : index
    %get3A_109 = arith.constant 0 : index
    %get3A_110 = arith.constant 0 : index
    %get3A_111 = arith.constant 0 : index
    %get3A_112 = vector.load %arg2[%get3A_108, %get3A_109, %get3A_110, %get3A_111] : memref<16x1x640x128xf32, #tpu.memory_space<vmem>>, vector<1x1x640x128xf32>
    %get3A_113 = vector.shape_cast %get3A_112 : vector<1x1x640x128xf32> to vector<640x128xf32>
    %get3A_114 = arith.constant 8 : index
    %get3A_115 = arith.constant 0 : index
    %get3A_116 = arith.constant 0 : index
    %get3A_117 = vector.load %arg3[%get3A_114, %get3A_115, %get3A_116] : memref<16x128x256xf32, #tpu.memory_space<vmem>>, vector<1x128x256xf32>
    %get3A_118 = vector.shape_cast %get3A_117 : vector<1x128x256xf32> to vector<128x256xf32>
    %dot_general3A_119 = arith.constant dense<0.000000e+00> : vector<640x256xf32>
    %dot_general3A_120 = tpu.matmul %get3A_113, %get3A_118, %dot_general3A_119 {dimension_numbers = #tpu.dot_dimension_numbers<[1], [0], [0], [1], [0, 0, 1, 1], [], []>, transpose_lhs_hint = false} : vector<640x128xf32>, vector<128x256xf32>, vector<640x256xf32> -> vector<640x256xf32>
    %add3A_121 = arith.addf %add3A_107, %dot_general3A_120 : vector<640x256xf32>
    %get3A_122 = arith.constant 9 : index
    %get3A_123 = arith.constant 0 : index
    %get3A_124 = arith.constant 0 : index
    %get3A_125 = arith.constant 0 : index
    %get3A_126 = vector.load %arg2[%get3A_122, %get3A_123, %get3A_124, %get3A_125] : memref<16x1x640x128xf32, #tpu.memory_space<vmem>>, vector<1x1x640x128xf32>
    %get3A_127 = vector.shape_cast %get3A_126 : vector<1x1x640x128xf32> to vector<640x128xf32>
    %get3A_128 = arith.constant 9 : index
    %get3A_129 = arith.constant 0 : index
    %get3A_130 = arith.constant 0 : index
    %get3A_131 = vector.load %arg3[%get3A_128, %get3A_129, %get3A_130] : memref<16x128x256xf32, #tpu.memory_space<vmem>>, vector<1x128x256xf32>
    %get3A_132 = vector.shape_cast %get3A_131 : vector<1x128x256xf32> to vector<128x256xf32>
    %dot_general3A_133 = arith.constant dense<0.000000e+00> : vector<640x256xf32>
    %dot_general3A_134 = tpu.matmul %get3A_127, %get3A_132, %dot_general3A_133 {dimension_numbers = #tpu.dot_dimension_numbers<[1], [0], [0], [1], [0, 0, 1, 1], [], []>, transpose_lhs_hint = false} : vector<640x128xf32>, vector<128x256xf32>, vector<640x256xf32> -> vector<640x256xf32>
    %add3A_135 = arith.addf %add3A_121, %dot_general3A_134 : vector<640x256xf32>
    %get3A_136 = arith.constant 10 : index
    %get3A_137 = arith.constant 0 : index
    %get3A_138 = arith.constant 0 : index
    %get3A_139 = arith.constant 0 : index
    %get3A_140 = vector.load %arg2[%get3A_136, %get3A_137, %get3A_138, %get3A_139] : memref<16x1x640x128xf32, #tpu.memory_space<vmem>>, vector<1x1x640x128xf32>
    %get3A_141 = vector.shape_cast %get3A_140 : vector<1x1x640x128xf32> to vector<640x128xf32>
    %get3A_142 = arith.constant 10 : index
    %get3A_143 = arith.constant 0 : index
    %get3A_144 = arith.constant 0 : index
    %get3A_145 = vector.load %arg3[%get3A_142, %get3A_143, %get3A_144] : memref<16x128x256xf32, #tpu.memory_space<vmem>>, vector<1x128x256xf32>
    %get3A_146 = vector.shape_cast %get3A_145 : vector<1x128x256xf32> to vector<128x256xf32>
    %dot_general3A_147 = arith.constant dense<0.000000e+00> : vector<640x256xf32>
    %dot_general3A_148 = tpu.matmul %get3A_141, %get3A_146, %dot_general3A_147 {dimension_numbers = #tpu.dot_dimension_numbers<[1], [0], [0], [1], [0, 0, 1, 1], [], []>, transpose_lhs_hint = false} : vector<640x128xf32>, vector<128x256xf32>, vector<640x256xf32> -> vector<640x256xf32>
    %add3A_149 = arith.addf %add3A_135, %dot_general3A_148 : vector<640x256xf32>
    %get3A_150 = arith.constant 11 : index
    %get3A_151 = arith.constant 0 : index
    %get3A_152 = arith.constant 0 : index
    %get3A_153 = arith.constant 0 : index
    %get3A_154 = vector.load %arg2[%get3A_150, %get3A_151, %get3A_152, %get3A_153] : memref<16x1x640x128xf32, #tpu.memory_space<vmem>>, vector<1x1x640x128xf32>
    %get3A_155 = vector.shape_cast %get3A_154 : vector<1x1x640x128xf32> to vector<640x128xf32>
    %get3A_156 = arith.constant 11 : index
    %get3A_157 = arith.constant 0 : index
    %get3A_158 = arith.constant 0 : index
    %get3A_159 = vector.load %arg3[%get3A_156, %get3A_157, %get3A_158] : memref<16x128x256xf32, #tpu.memory_space<vmem>>, vector<1x128x256xf32>
    %get3A_160 = vector.shape_cast %get3A_159 : vector<1x128x256xf32> to vector<128x256xf32>
    %dot_general3A_161 = arith.constant dense<0.000000e+00> : vector<640x256xf32>
    %dot_general3A_162 = tpu.matmul %get3A_155, %get3A_160, %dot_general3A_161 {dimension_numbers = #tpu.dot_dimension_numbers<[1], [0], [0], [1], [0, 0, 1, 1], [], []>, transpose_lhs_hint = false} : vector<640x128xf32>, vector<128x256xf32>, vector<640x256xf32> -> vector<640x256xf32>
    %add3A_163 = arith.addf %add3A_149, %dot_general3A_162 : vector<640x256xf32>
    %get3A_164 = arith.constant 12 : index
    %get3A_165 = arith.constant 0 : index
    %get3A_166 = arith.constant 0 : index
    %get3A_167 = arith.constant 0 : index
    %get3A_168 = vector.load %arg2[%get3A_164, %get3A_165, %get3A_166, %get3A_167] : memref<16x1x640x128xf32, #tpu.memory_space<vmem>>, vector<1x1x640x128xf32>
    %get3A_169 = vector.shape_cast %get3A_168 : vector<1x1x640x128xf32> to vector<640x128xf32>
    %get3A_170 = arith.constant 12 : index
    %get3A_171 = arith.constant 0 : index
    %get3A_172 = arith.constant 0 : index
    %get3A_173 = vector.load %arg3[%get3A_170, %get3A_171, %get3A_172] : memref<16x128x256xf32, #tpu.memory_space<vmem>>, vector<1x128x256xf32>
    %get3A_174 = vector.shape_cast %get3A_173 : vector<1x128x256xf32> to vector<128x256xf32>
    %dot_general3A_175 = arith.constant dense<0.000000e+00> : vector<640x256xf32>
    %dot_general3A_176 = tpu.matmul %get3A_169, %get3A_174, %dot_general3A_175 {dimension_numbers = #tpu.dot_dimension_numbers<[1], [0], [0], [1], [0, 0, 1, 1], [], []>, transpose_lhs_hint = false} : vector<640x128xf32>, vector<128x256xf32>, vector<640x256xf32> -> vector<640x256xf32>
    %add3A_177 = arith.addf %add3A_163, %dot_general3A_176 : vector<640x256xf32>
    %get3A_178 = arith.constant 13 : index
    %get3A_179 = arith.constant 0 : index
    %get3A_180 = arith.constant 0 : index
    %get3A_181 = arith.constant 0 : index
    %get3A_182 = vector.load %arg2[%get3A_178, %get3A_179, %get3A_180, %get3A_181] : memref<16x1x640x128xf32, #tpu.memory_space<vmem>>, vector<1x1x640x128xf32>
    %get3A_183 = vector.shape_cast %get3A_182 : vector<1x1x640x128xf32> to vector<640x128xf32>
    %get3A_184 = arith.constant 13 : index
    %get3A_185 = arith.constant 0 : index
    %get3A_186 = arith.constant 0 : index
    %get3A_187 = vector.load %arg3[%get3A_184, %get3A_185, %get3A_186] : memref<16x128x256xf32, #tpu.memory_space<vmem>>, vector<1x128x256xf32>
    %get3A_188 = vector.shape_cast %get3A_187 : vector<1x128x256xf32> to vector<128x256xf32>
    %dot_general3A_189 = arith.constant dense<0.000000e+00> : vector<640x256xf32>
    %dot_general3A_190 = tpu.matmul %get3A_183, %get3A_188, %dot_general3A_189 {dimension_numbers = #tpu.dot_dimension_numbers<[1], [0], [0], [1], [0, 0, 1, 1], [], []>, transpose_lhs_hint = false} : vector<640x128xf32>, vector<128x256xf32>, vector<640x256xf32> -> vector<640x256xf32>
    %add3A_191 = arith.addf %add3A_177, %dot_general3A_190 : vector<640x256xf32>
    %get3A_192 = arith.constant 14 : index
    %get3A_193 = arith.constant 0 : index
    %get3A_194 = arith.constant 0 : index
    %get3A_195 = arith.constant 0 : index
    %get3A_196 = vector.load %arg2[%get3A_192, %get3A_193, %get3A_194, %get3A_195] : memref<16x1x640x128xf32, #tpu.memory_space<vmem>>, vector<1x1x640x128xf32>
    %get3A_197 = vector.shape_cast %get3A_196 : vector<1x1x640x128xf32> to vector<640x128xf32>
    %get3A_198 = arith.constant 14 : index
    %get3A_199 = arith.constant 0 : index
    %get3A_200 = arith.constant 0 : index
    %get3A_201 = vector.load %arg3[%get3A_198, %get3A_199, %get3A_200] : memref<16x128x256xf32, #tpu.memory_space<vmem>>, vector<1x128x256xf32>
    %get3A_202 = vector.shape_cast %get3A_201 : vector<1x128x256xf32> to vector<128x256xf32>
    %dot_general3A_203 = arith.constant dense<0.000000e+00> : vector<640x256xf32>
    %dot_general3A_204 = tpu.matmul %get3A_197, %get3A_202, %dot_general3A_203 {dimension_numbers = #tpu.dot_dimension_numbers<[1], [0], [0], [1], [0, 0, 1, 1], [], []>, transpose_lhs_hint = false} : vector<640x128xf32>, vector<128x256xf32>, vector<640x256xf32> -> vector<640x256xf32>
    %add3A_205 = arith.addf %add3A_191, %dot_general3A_204 : vector<640x256xf32>
    %get3A_206 = arith.constant 15 : index
    %get3A_207 = arith.constant 0 : index
    %get3A_208 = arith.constant 0 : index
    %get3A_209 = arith.constant 0 : index
    %get3A_210 = vector.load %arg2[%get3A_206, %get3A_207, %get3A_208, %get3A_209] : memref<16x1x640x128xf32, #tpu.memory_space<vmem>>, vector<1x1x640x128xf32>
    %get3A_211 = vector.shape_cast %get3A_210 : vector<1x1x640x128xf32> to vector<640x128xf32>
    %get3A_212 = arith.constant 15 : index
    %get3A_213 = arith.constant 0 : index
    %get3A_214 = arith.constant 0 : index
    %get3A_215 = vector.load %arg3[%get3A_212, %get3A_213, %get3A_214] : memref<16x128x256xf32, #tpu.memory_space<vmem>>, vector<1x128x256xf32>
    %get3A_216 = vector.shape_cast %get3A_215 : vector<1x128x256xf32> to vector<128x256xf32>
    %dot_general3A_217 = arith.constant dense<0.000000e+00> : vector<640x256xf32>
    %dot_general3A_218 = tpu.matmul %get3A_211, %get3A_216, %dot_general3A_217 {dimension_numbers = #tpu.dot_dimension_numbers<[1], [0], [0], [1], [0, 0, 1, 1], [], []>, transpose_lhs_hint = false} : vector<640x128xf32>, vector<128x256xf32>, vector<640x256xf32> -> vector<640x256xf32>
    %add3A_219 = arith.addf %add3A_205, %dot_general3A_218 : vector<640x256xf32>
    %get3A_220 = arith.constant 0 : index
    %get3A_221 = arith.constant 0 : index
    %get3A_222 = vector.load %arg4[%get3A_220, %get3A_221] : memref<1x256xf32, #tpu.memory_space<vmem>>, vector<1x256xf32>
    %get3A_223 = vector.shape_cast %get3A_222 : vector<1x256xf32> to vector<256xf32>
    %broadcast_in_dim3A = vector.shape_cast %get3A_223 : vector<256xf32> to vector<1x256xf32>
    %add3A_224 = vector.broadcast %broadcast_in_dim3A : vector<1x256xf32> to vector<640x256xf32>
    %add3A_225 = arith.addf %add3A_219, %add3A_224 : vector<640x256xf32>
    %gt3A = arith.constant 0.000000e+00 : f32
    %gt3A_226 = vector.broadcast %gt3A : f32 to vector<640x256xf32>
    %gt3A_227 = arith.cmpf ogt, %add3A_225, %gt3A_226 : vector<640x256xf32>
    %exp3A = math.exp %add3A_225 : vector<640x256xf32>
    %sub3A = arith.constant 1.000000e+00 : f32
    %sub3A_228 = vector.broadcast %sub3A : f32 to vector<640x256xf32>
    %sub3A_229 = arith.subf %exp3A, %sub3A_228 : vector<640x256xf32>
    %select_n3A = arith.select %gt3A_227, %add3A_225, %sub3A_229 : vector<640x256xi1>, vector<640x256xf32>
    %mul3A = arith.constant 640 : i32
    %mul3A_230 = arith.muli %arg1, %mul3A : i32
    %iota3A = tpu.iota {dimensions = array<i32: 0>} : vector<640x1xi32>
    %add3A_231 = vector.broadcast %mul3A_230 : i32 to vector<640x1xi32>
    %add3A_232 = arith.addi %add3A_231, %iota3A : vector<640x1xi32>
    %eq3A = arith.constant 1256 : i32
    %eq3A_233 = vector.broadcast %eq3A : i32 to vector<640x1xi32>
    %eq3A_234 = arith.cmpi eq, %add3A_232, %eq3A_233 : vector<640x1xi32>
    %jit3A = arith.constant 0.000000e+00 : f32
    %broadcast_in_dim3A_235 = vector.shape_cast %eq3A_234 : vector<640x1xi1> to vector<640x1xi1>
    %broadcast_in_dim3A_236 = vector.broadcast %broadcast_in_dim3A_235 : vector<640x1xi1> to vector<640x256xi1>
    %broadcast_in_dim3A_237 = vector.broadcast %jit3A : f32 to vector<640x256xf32>
    %select_n3A_238 = arith.select %broadcast_in_dim3A_236, %broadcast_in_dim3A_237, %select_n3A : vector<640x256xi1>, vector<640x256xf32>
    %swap3A = arith.constant 0 : index
    %swap3A_239 = arith.constant 0 : index
    %swap3A_240 = arith.constant 0 : index
    %swap3A_241 = vector.load %arg5[%swap3A, %swap3A_239, %swap3A_240] : memref<1x640x256xf32, #tpu.memory_space<vmem>>, vector<1x640x256xf32>
    %swap3A_242 = vector.shape_cast %swap3A_241 : vector<1x640x256xf32> to vector<640x256xf32>
    %swap3A_243 = vector.shape_cast %select_n3A_238 : vector<640x256xf32> to vector<1x640x256xf32>
    tpu.vector_store %arg5[%swap3A, %swap3A_239, %swap3A_240], %swap3A_243 {strides = array<i32>} : memref<1x640x256xf32, #tpu.memory_space<vmem>>, vector<1x640x256xf32>,
    return
  }
  func.func @transform_0(%arg0: i32, %arg1: i32) -> (i32, i32, i32, i32) {
    %c0_i32 = arith.constant 0 : i32
    %c0_i32_0 = arith.constant 0 : i32
    %c0_i32_1 = arith.constant 0 : i32
    return %c0_i32, %arg0, %arg1, %c0_i32_0 : i32, i32, i32, i32
  }
  func.func @transform_1(%arg0: i32, %arg1: i32) -> (i32, i32, i32) {
    %c0_i32 = arith.constant 0 : i32
    %c0_i32_0 = arith.constant 0 : i32
    %c0_i32_1 = arith.constant 0 : i32
    %c0_i32_2 = arith.constant 0 : i32
    return %c0_i32, %c0_i32_0, %c0_i32_1 : i32, i32, i32
  }
  func.func @transform_2(%arg0: i32, %arg1: i32) -> (i32, i32) {
    %c0_i32 = arith.constant 0 : i32
    %c0_i32_0 = arith.constant 0 : i32
    %c0_i32_1 = arith.constant 0 : i32
    return %c0_i32, %c0_i32_0 : i32, i32
  }
  func.func @transform_3(%arg0: i32, %arg1: i32) -> (i32, i32, i32) {
    %c0_i32 = arith.constant 0 : i32
    %c0_i32_0 = arith.constant 0 : i32
    return %arg0, %arg1, %c0_i32 : i32, i32, i32
  }
}

module attributes {stable_mosaic.version = 14 : i64} {
  func.func @body(%arg0: i32, %arg1: memref<64x1257xf32, #tpu.memory_space<vmem>>, %arg2: memref<8x1257x256xf32, #tpu.memory_space<vmem>>, %arg3: memref<8x64x256xf32, #tpu.memory_space<vmem>>) attributes {dimension_semantics = [#tpu.dimension_semantics<arbitrary>], iteration_bounds = array<i64: 5>, scalar_prefetch = 0 : i64, scratch_operands = 0 : i64, tpu.core_type = #tpu.core_type<tc>, window_params = [{transform_indices = @transform_0, window_bounds = array<i64: 64, 1257>}, {pipeline_mode = #tpu.pipeline_mode<synchronous>, transform_indices = @transform_1, window_bounds = array<i64: 8, 1257, 256>}, {transform_indices = @transform_2, window_bounds = array<i64: 8, 64, 256>}]} {
    %get3A = arith.constant 0 : index
    %get3A_0 = arith.constant 0 : index
    %get3A_1 = vector.load %arg1[%get3A, %get3A_0] : memref<64x1257xf32, #tpu.memory_space<vmem>>, vector<64x1257xf32>
    %get3A_2 = arith.constant 0 : index
    %get3A_3 = arith.constant 0 : index
    %get3A_4 = arith.constant 0 : index
    %get3A_5 = vector.load %arg2[%get3A_2, %get3A_3, %get3A_4] : memref<8x1257x256xf32, #tpu.memory_space<vmem>>, vector<1x1257x256xf32>
    %get3A_6 = vector.shape_cast %get3A_5 : vector<1x1257x256xf32> to vector<1257x256xf32>
    %dot_general3A = arith.constant dense<0.000000e+00> : vector<64x256xf32>
    %dot_general3A_7 = tpu.matmul %get3A_1, %get3A_6, %dot_general3A {dimension_numbers = #tpu.dot_dimension_numbers<[1], [0], [0], [1], [0, 0, 1, 1], [], []>, transpose_lhs_hint = false} : vector<64x1257xf32>, vector<1257x256xf32>, vector<64x256xf32> -> vector<64x256xf32>
    %swap3A = arith.constant 0 : index
    %swap3A_8 = arith.constant 0 : index
    %swap3A_9 = arith.constant 0 : index
    %swap3A_10 = vector.load %arg3[%swap3A, %swap3A_8, %swap3A_9] : memref<8x64x256xf32, #tpu.memory_space<vmem>>, vector<1x64x256xf32>
    %swap3A_11 = vector.shape_cast %swap3A_10 : vector<1x64x256xf32> to vector<64x256xf32>
    %swap3A_12 = vector.shape_cast %dot_general3A_7 : vector<64x256xf32> to vector<1x64x256xf32>
    tpu.vector_store %arg3[%swap3A, %swap3A_8, %swap3A_9], %swap3A_12 {strides = array<i32>} : memref<8x64x256xf32, #tpu.memory_space<vmem>>, vector<1x64x256xf32>,
    %get3A_13 = arith.constant 0 : index
    %get3A_14 = arith.constant 0 : index
    %get3A_15 = vector.load %arg1[%get3A_13, %get3A_14] : memref<64x1257xf32, #tpu.memory_space<vmem>>, vector<64x1257xf32>
    %get3A_16 = arith.constant 1 : index
    %get3A_17 = arith.constant 0 : index
    %get3A_18 = arith.constant 0 : index
    %get3A_19 = vector.load %arg2[%get3A_16, %get3A_17, %get3A_18] : memref<8x1257x256xf32, #tpu.memory_space<vmem>>, vector<1x1257x256xf32>
    %get3A_20 = vector.shape_cast %get3A_19 : vector<1x1257x256xf32> to vector<1257x256xf32>
    %dot_general3A_21 = arith.constant dense<0.000000e+00> : vector<64x256xf32>
    %dot_general3A_22 = tpu.matmul %get3A_15, %get3A_20, %dot_general3A_21 {dimension_numbers = #tpu.dot_dimension_numbers<[1], [0], [0], [1], [0, 0, 1, 1], [], []>, transpose_lhs_hint = false} : vector<64x1257xf32>, vector<1257x256xf32>, vector<64x256xf32> -> vector<64x256xf32>
    %swap3A_23 = arith.constant 1 : index
    %swap3A_24 = arith.constant 0 : index
    %swap3A_25 = arith.constant 0 : index
    %swap3A_26 = vector.load %arg3[%swap3A_23, %swap3A_24, %swap3A_25] : memref<8x64x256xf32, #tpu.memory_space<vmem>>, vector<1x64x256xf32>
    %swap3A_27 = vector.shape_cast %swap3A_26 : vector<1x64x256xf32> to vector<64x256xf32>
    %swap3A_28 = vector.shape_cast %dot_general3A_22 : vector<64x256xf32> to vector<1x64x256xf32>
    tpu.vector_store %arg3[%swap3A_23, %swap3A_24, %swap3A_25], %swap3A_28 {strides = array<i32>} : memref<8x64x256xf32, #tpu.memory_space<vmem>>, vector<1x64x256xf32>,
    %get3A_29 = arith.constant 0 : index
    %get3A_30 = arith.constant 0 : index
    %get3A_31 = vector.load %arg1[%get3A_29, %get3A_30] : memref<64x1257xf32, #tpu.memory_space<vmem>>, vector<64x1257xf32>
    %get3A_32 = arith.constant 2 : index
    %get3A_33 = arith.constant 0 : index
    %get3A_34 = arith.constant 0 : index
    %get3A_35 = vector.load %arg2[%get3A_32, %get3A_33, %get3A_34] : memref<8x1257x256xf32, #tpu.memory_space<vmem>>, vector<1x1257x256xf32>
    %get3A_36 = vector.shape_cast %get3A_35 : vector<1x1257x256xf32> to vector<1257x256xf32>
    %dot_general3A_37 = arith.constant dense<0.000000e+00> : vector<64x256xf32>
    %dot_general3A_38 = tpu.matmul %get3A_31, %get3A_36, %dot_general3A_37 {dimension_numbers = #tpu.dot_dimension_numbers<[1], [0], [0], [1], [0, 0, 1, 1], [], []>, transpose_lhs_hint = false} : vector<64x1257xf32>, vector<1257x256xf32>, vector<64x256xf32> -> vector<64x256xf32>
    %swap3A_39 = arith.constant 2 : index
    %swap3A_40 = arith.constant 0 : index
    %swap3A_41 = arith.constant 0 : index
    %swap3A_42 = vector.load %arg3[%swap3A_39, %swap3A_40, %swap3A_41] : memref<8x64x256xf32, #tpu.memory_space<vmem>>, vector<1x64x256xf32>
    %swap3A_43 = vector.shape_cast %swap3A_42 : vector<1x64x256xf32> to vector<64x256xf32>
    %swap3A_44 = vector.shape_cast %dot_general3A_38 : vector<64x256xf32> to vector<1x64x256xf32>
    tpu.vector_store %arg3[%swap3A_39, %swap3A_40, %swap3A_41], %swap3A_44 {strides = array<i32>} : memref<8x64x256xf32, #tpu.memory_space<vmem>>, vector<1x64x256xf32>,
    %get3A_45 = arith.constant 0 : index
    %get3A_46 = arith.constant 0 : index
    %get3A_47 = vector.load %arg1[%get3A_45, %get3A_46] : memref<64x1257xf32, #tpu.memory_space<vmem>>, vector<64x1257xf32>
    %get3A_48 = arith.constant 3 : index
    %get3A_49 = arith.constant 0 : index
    %get3A_50 = arith.constant 0 : index
    %get3A_51 = vector.load %arg2[%get3A_48, %get3A_49, %get3A_50] : memref<8x1257x256xf32, #tpu.memory_space<vmem>>, vector<1x1257x256xf32>
    %get3A_52 = vector.shape_cast %get3A_51 : vector<1x1257x256xf32> to vector<1257x256xf32>
    %dot_general3A_53 = arith.constant dense<0.000000e+00> : vector<64x256xf32>
    %dot_general3A_54 = tpu.matmul %get3A_47, %get3A_52, %dot_general3A_53 {dimension_numbers = #tpu.dot_dimension_numbers<[1], [0], [0], [1], [0, 0, 1, 1], [], []>, transpose_lhs_hint = false} : vector<64x1257xf32>, vector<1257x256xf32>, vector<64x256xf32> -> vector<64x256xf32>
    %swap3A_55 = arith.constant 3 : index
    %swap3A_56 = arith.constant 0 : index
    %swap3A_57 = arith.constant 0 : index
    %swap3A_58 = vector.load %arg3[%swap3A_55, %swap3A_56, %swap3A_57] : memref<8x64x256xf32, #tpu.memory_space<vmem>>, vector<1x64x256xf32>
    %swap3A_59 = vector.shape_cast %swap3A_58 : vector<1x64x256xf32> to vector<64x256xf32>
    %swap3A_60 = vector.shape_cast %dot_general3A_54 : vector<64x256xf32> to vector<1x64x256xf32>
    tpu.vector_store %arg3[%swap3A_55, %swap3A_56, %swap3A_57], %swap3A_60 {strides = array<i32>} : memref<8x64x256xf32, #tpu.memory_space<vmem>>, vector<1x64x256xf32>,
    %get3A_61 = arith.constant 0 : index
    %get3A_62 = arith.constant 0 : index
    %get3A_63 = vector.load %arg1[%get3A_61, %get3A_62] : memref<64x1257xf32, #tpu.memory_space<vmem>>, vector<64x1257xf32>
    %get3A_64 = arith.constant 4 : index
    %get3A_65 = arith.constant 0 : index
    %get3A_66 = arith.constant 0 : index
    %get3A_67 = vector.load %arg2[%get3A_64, %get3A_65, %get3A_66] : memref<8x1257x256xf32, #tpu.memory_space<vmem>>, vector<1x1257x256xf32>
    %get3A_68 = vector.shape_cast %get3A_67 : vector<1x1257x256xf32> to vector<1257x256xf32>
    %dot_general3A_69 = arith.constant dense<0.000000e+00> : vector<64x256xf32>
    %dot_general3A_70 = tpu.matmul %get3A_63, %get3A_68, %dot_general3A_69 {dimension_numbers = #tpu.dot_dimension_numbers<[1], [0], [0], [1], [0, 0, 1, 1], [], []>, transpose_lhs_hint = false} : vector<64x1257xf32>, vector<1257x256xf32>, vector<64x256xf32> -> vector<64x256xf32>
    %swap3A_71 = arith.constant 4 : index
    %swap3A_72 = arith.constant 0 : index
    %swap3A_73 = arith.constant 0 : index
    %swap3A_74 = vector.load %arg3[%swap3A_71, %swap3A_72, %swap3A_73] : memref<8x64x256xf32, #tpu.memory_space<vmem>>, vector<1x64x256xf32>
    %swap3A_75 = vector.shape_cast %swap3A_74 : vector<1x64x256xf32> to vector<64x256xf32>
    %swap3A_76 = vector.shape_cast %dot_general3A_70 : vector<64x256xf32> to vector<1x64x256xf32>
    tpu.vector_store %arg3[%swap3A_71, %swap3A_72, %swap3A_73], %swap3A_76 {strides = array<i32>} : memref<8x64x256xf32, #tpu.memory_space<vmem>>, vector<1x64x256xf32>,
    %get3A_77 = arith.constant 0 : index
    %get3A_78 = arith.constant 0 : index
    %get3A_79 = vector.load %arg1[%get3A_77, %get3A_78] : memref<64x1257xf32, #tpu.memory_space<vmem>>, vector<64x1257xf32>
    %get3A_80 = arith.constant 5 : index
    %get3A_81 = arith.constant 0 : index
    %get3A_82 = arith.constant 0 : index
    %get3A_83 = vector.load %arg2[%get3A_80, %get3A_81, %get3A_82] : memref<8x1257x256xf32, #tpu.memory_space<vmem>>, vector<1x1257x256xf32>
    %get3A_84 = vector.shape_cast %get3A_83 : vector<1x1257x256xf32> to vector<1257x256xf32>
    %dot_general3A_85 = arith.constant dense<0.000000e+00> : vector<64x256xf32>
    %dot_general3A_86 = tpu.matmul %get3A_79, %get3A_84, %dot_general3A_85 {dimension_numbers = #tpu.dot_dimension_numbers<[1], [0], [0], [1], [0, 0, 1, 1], [], []>, transpose_lhs_hint = false} : vector<64x1257xf32>, vector<1257x256xf32>, vector<64x256xf32> -> vector<64x256xf32>
    %swap3A_87 = arith.constant 5 : index
    %swap3A_88 = arith.constant 0 : index
    %swap3A_89 = arith.constant 0 : index
    %swap3A_90 = vector.load %arg3[%swap3A_87, %swap3A_88, %swap3A_89] : memref<8x64x256xf32, #tpu.memory_space<vmem>>, vector<1x64x256xf32>
    %swap3A_91 = vector.shape_cast %swap3A_90 : vector<1x64x256xf32> to vector<64x256xf32>
    %swap3A_92 = vector.shape_cast %dot_general3A_86 : vector<64x256xf32> to vector<1x64x256xf32>
    tpu.vector_store %arg3[%swap3A_87, %swap3A_88, %swap3A_89], %swap3A_92 {strides = array<i32>} : memref<8x64x256xf32, #tpu.memory_space<vmem>>, vector<1x64x256xf32>,
    %get3A_93 = arith.constant 0 : index
    %get3A_94 = arith.constant 0 : index
    %get3A_95 = vector.load %arg1[%get3A_93, %get3A_94] : memref<64x1257xf32, #tpu.memory_space<vmem>>, vector<64x1257xf32>
    %get3A_96 = arith.constant 6 : index
    %get3A_97 = arith.constant 0 : index
    %get3A_98 = arith.constant 0 : index
    %get3A_99 = vector.load %arg2[%get3A_96, %get3A_97, %get3A_98] : memref<8x1257x256xf32, #tpu.memory_space<vmem>>, vector<1x1257x256xf32>
    %get3A_100 = vector.shape_cast %get3A_99 : vector<1x1257x256xf32> to vector<1257x256xf32>
    %dot_general3A_101 = arith.constant dense<0.000000e+00> : vector<64x256xf32>
    %dot_general3A_102 = tpu.matmul %get3A_95, %get3A_100, %dot_general3A_101 {dimension_numbers = #tpu.dot_dimension_numbers<[1], [0], [0], [1], [0, 0, 1, 1], [], []>, transpose_lhs_hint = false} : vector<64x1257xf32>, vector<1257x256xf32>, vector<64x256xf32> -> vector<64x256xf32>
    %swap3A_103 = arith.constant 6 : index
    %swap3A_104 = arith.constant 0 : index
    %swap3A_105 = arith.constant 0 : index
    %swap3A_106 = vector.load %arg3[%swap3A_103, %swap3A_104, %swap3A_105] : memref<8x64x256xf32, #tpu.memory_space<vmem>>, vector<1x64x256xf32>
    %swap3A_107 = vector.shape_cast %swap3A_106 : vector<1x64x256xf32> to vector<64x256xf32>
    %swap3A_108 = vector.shape_cast %dot_general3A_102 : vector<64x256xf32> to vector<1x64x256xf32>
    tpu.vector_store %arg3[%swap3A_103, %swap3A_104, %swap3A_105], %swap3A_108 {strides = array<i32>} : memref<8x64x256xf32, #tpu.memory_space<vmem>>, vector<1x64x256xf32>,
    %get3A_109 = arith.constant 0 : index
    %get3A_110 = arith.constant 0 : index
    %get3A_111 = vector.load %arg1[%get3A_109, %get3A_110] : memref<64x1257xf32, #tpu.memory_space<vmem>>, vector<64x1257xf32>
    %get3A_112 = arith.constant 7 : index
    %get3A_113 = arith.constant 0 : index
    %get3A_114 = arith.constant 0 : index
    %get3A_115 = vector.load %arg2[%get3A_112, %get3A_113, %get3A_114] : memref<8x1257x256xf32, #tpu.memory_space<vmem>>, vector<1x1257x256xf32>
    %get3A_116 = vector.shape_cast %get3A_115 : vector<1x1257x256xf32> to vector<1257x256xf32>
    %dot_general3A_117 = arith.constant dense<0.000000e+00> : vector<64x256xf32>
    %dot_general3A_118 = tpu.matmul %get3A_111, %get3A_116, %dot_general3A_117 {dimension_numbers = #tpu.dot_dimension_numbers<[1], [0], [0], [1], [0, 0, 1, 1], [], []>, transpose_lhs_hint = false} : vector<64x1257xf32>, vector<1257x256xf32>, vector<64x256xf32> -> vector<64x256xf32>
    %swap3A_119 = arith.constant 7 : index
    %swap3A_120 = arith.constant 0 : index
    %swap3A_121 = arith.constant 0 : index
    %swap3A_122 = vector.load %arg3[%swap3A_119, %swap3A_120, %swap3A_121] : memref<8x64x256xf32, #tpu.memory_space<vmem>>, vector<1x64x256xf32>
    %swap3A_123 = vector.shape_cast %swap3A_122 : vector<1x64x256xf32> to vector<64x256xf32>
    %swap3A_124 = vector.shape_cast %dot_general3A_118 : vector<64x256xf32> to vector<1x64x256xf32>
    tpu.vector_store %arg3[%swap3A_119, %swap3A_120, %swap3A_121], %swap3A_124 {strides = array<i32>} : memref<8x64x256xf32, #tpu.memory_space<vmem>>, vector<1x64x256xf32>,
    return
  }
  func.func @transform_0(%arg0: i32) -> (i32, i32) {
    %c0_i32 = arith.constant 0 : i32
    %c0_i32_0 = arith.constant 0 : i32
    return %arg0, %c0_i32 : i32, i32
  }
  func.func @transform_1(%arg0: i32) -> (i32, i32, i32) {
    %c0_i32 = arith.constant 0 : i32
    %c0_i32_0 = arith.constant 0 : i32
    %c0_i32_1 = arith.constant 0 : i32
    %c0_i32_2 = arith.constant 0 : i32
    return %c0_i32, %c0_i32_0, %c0_i32_1 : i32, i32, i32
  }
  func.func @transform_2(%arg0: i32) -> (i32, i32, i32) {
    %c0_i32 = arith.constant 0 : i32
    %c0_i32_0 = arith.constant 0 : i32
    %c0_i32_1 = arith.constant 0 : i32
    return %c0_i32, %arg0, %c0_i32_0 : i32, i32, i32
  }
}

module attributes {stable_mosaic.version = 14 : i64} {
  func.func @body(%arg0: i32, %arg1: memref<8x16128xf32, #tpu.memory_space<vmem>>, %arg2: memref<16128x256xf32, #tpu.memory_space<vmem>>, %arg3: memref<1x256xf32, #tpu.memory_space<vmem>>, %arg4: memref<8x256xf32, #tpu.memory_space<vmem>>) attributes {dimension_semantics = [#tpu.dimension_semantics<arbitrary>], iteration_bounds = array<i64: 5>, scalar_prefetch = 0 : i64, scratch_operands = 0 : i64, tpu.core_type = #tpu.core_type<tc>, window_params = [{transform_indices = @transform_0, window_bounds = array<i64: 8, 16128>}, {transform_indices = @transform_1, window_bounds = array<i64: 16128, 256>}, {pipeline_mode = #tpu.pipeline_mode<synchronous>, transform_indices = @transform_2, window_bounds = array<i64: 1, 256>}, {pipeline_mode = #tpu.pipeline_mode<synchronous>, transform_indices = @transform_3, window_bounds = array<i64: 8, 256>}]} {
    %eq3A = arith.constant 0 : i32
    %eq3A_0 = arith.cmpi eq, %arg0, %eq3A : i32
    %convert_element_type3A = arith.extui %eq3A_0 : i1 to i32
    %cond3A = arith.constant 0 : i32
    %cond3A_1 = arith.cmpi ne, %convert_element_type3A, %cond3A : i32
    scf.if %cond3A_1 {
      %get3A_13 = arith.constant 0 : index
      %get3A_14 = arith.constant 0 : index
      %get3A_15 = vector.load %arg3[%get3A_13, %get3A_14] : memref<1x256xf32, #tpu.memory_space<vmem>>, vector<1x256xf32>
      %get3A_16 = vector.shape_cast %get3A_15 : vector<1x256xf32> to vector<256xf32>
      %broadcast_in_dim3A = vector.shape_cast %get3A_16 : vector<256xf32> to vector<1x256xf32>
      %broadcast_in_dim3A_17 = vector.broadcast %broadcast_in_dim3A : vector<1x256xf32> to vector<8x256xf32>
      %swap3A_18 = arith.constant 0 : index
      %swap3A_19 = arith.constant 0 : index
      %swap3A_20 = vector.load %arg4[%swap3A_18, %swap3A_19] : memref<8x256xf32, #tpu.memory_space<vmem>>, vector<8x256xf32>
      tpu.vector_store %arg4[%swap3A_18, %swap3A_19], %broadcast_in_dim3A_17 {strides = array<i32>} : memref<8x256xf32, #tpu.memory_space<vmem>>, vector<8x256xf32>,
    } else {
    }
    %get3A = arith.constant 0 : index
    %get3A_2 = arith.constant 0 : index
    %get3A_3 = vector.load %arg4[%get3A, %get3A_2] : memref<8x256xf32, #tpu.memory_space<vmem>>, vector<8x256xf32>
    %get3A_4 = arith.constant 0 : index
    %get3A_5 = arith.constant 0 : index
    %get3A_6 = vector.load %arg1[%get3A_4, %get3A_5] : memref<8x16128xf32, #tpu.memory_space<vmem>>, vector<8x16128xf32>
    %get3A_7 = arith.constant 0 : index
    %get3A_8 = arith.constant 0 : index
    %get3A_9 = vector.load %arg2[%get3A_7, %get3A_8] : memref<16128x256xf32, #tpu.memory_space<vmem>>, vector<16128x256xf32>
    %dot_general3A = arith.constant dense<0.000000e+00> : vector<8x256xf32>
    %dot_general3A_10 = tpu.matmul %get3A_6, %get3A_9, %dot_general3A {dimension_numbers = #tpu.dot_dimension_numbers<[1], [0], [0], [1], [0, 0, 1, 1], [], []>, transpose_lhs_hint = false} : vector<8x16128xf32>, vector<16128x256xf32>, vector<8x256xf32> -> vector<8x256xf32>
    %add3A = arith.addf %get3A_3, %dot_general3A_10 : vector<8x256xf32>
    %swap3A = arith.constant 0 : index
    %swap3A_11 = arith.constant 0 : index
    %swap3A_12 = vector.load %arg4[%swap3A, %swap3A_11] : memref<8x256xf32, #tpu.memory_space<vmem>>, vector<8x256xf32>
    tpu.vector_store %arg4[%swap3A, %swap3A_11], %add3A {strides = array<i32>} : memref<8x256xf32, #tpu.memory_space<vmem>>, vector<8x256xf32>,
    return
  }
  func.func @transform_0(%arg0: i32) -> (i32, i32) {
    %c0_i32 = arith.constant 0 : i32
    %c0_i32_0 = arith.constant 0 : i32
    return %c0_i32, %arg0 : i32, i32
  }
  func.func @transform_1(%arg0: i32) -> (i32, i32) {
    %c0_i32 = arith.constant 0 : i32
    %c0_i32_0 = arith.constant 0 : i32
    return %arg0, %c0_i32 : i32, i32
  }
  func.func @transform_2(%arg0: i32) -> (i32, i32) {
    %c0_i32 = arith.constant 0 : i32
    %c0_i32_0 = arith.constant 0 : i32
    %c0_i32_1 = arith.constant 0 : i32
    return %c0_i32, %c0_i32_0 : i32, i32
  }
  func.func @transform_3(%arg0: i32) -> (i32, i32) {
    %c0_i32 = arith.constant 0 : i32
    %c0_i32_0 = arith.constant 0 : i32
    %c0_i32_1 = arith.constant 0 : i32
    return %c0_i32, %c0_i32_0 : i32, i32
  }
}

</mosaic_0001>

<sc_bundles>
// kernel: kernel.12.cloned.1.call-start
scs
__scs_entry_jumppad:
0x0: {  	(pc) =	sbr.rel $0x88, $3  }
0x1: {  	(tag) =	ssettag $0x0;
	lr =	simm.s32 $0x1  }
0x2: {  	[smem:$0x3F96] =	sst lr;
	_ =	strace $0xD0000000  }
0x3: {  	_ = 	snop  }
0x4: {  	_ = 	snop  }
0x5: {  	_ = 	snop  }
0x6: {  	_ = 	snop  }
0x7: {  	_ = 	snop  }
__scs_overlays_trampoline_lowered:
0x8: {  	[smem:$0x3FA5] =	sst s0  }
0x9: {  	[smem:$0x3FA6] =	sst s1  }
0xa: {  	[smem:$0x3FA7] =	sst s2  }
0xb: {  	[smem:$0x3FA8] =	sst s3  }
0xc: {  	[smem:$0x3FA9] =	sst s4  }
0xd: {  	[smem:$0x3FAA] =	sst s5  }
0xe: {  	[smem:$0x3FAB] =	sst s6  }
0xf: {  	[smem:$0x3FAC] =	sst s7  }
0x10: {  	[smem:$0x3FAD] =	sst s8  }
0x11: {  	[smem:$0x3FAE] =	sst s9;
	s0 =	simm.s32 @!p0 $0x0  }
0x12: {  	s1 =	sld [smem:$0x3F94];
	s0 =	simm.s32 @p0 $0x1  }
0x13: {  	[smem:$0x3FAF] =	sst s0;
	s0 =	simm.s32 @!p1 $0x0  }
0x14: {  	s2 =	sld [smem:$0x3F93];
	s0 =	simm.s32 @p1 $0x1  }
0x15: {  	[smem:$0x3FB0] =	sst s0;
	s0 =	simm.s32 @!p2 $0x0  }
0x16: {  	s3 =	sld [smem:$0x3FDB];
	s0 =	simm.s32 @p2 $0x1  }
0x17: {  	s4 =	simm.s32 $0x1BF5;
	[smem:$0x3FB2] =	sst s0  }
0x18: {  	s0 =	sld [smem:$0x3F95];
	_ =	swait.ge [sflag:s4], $0x0  }
0x19: {  	s7 =	sld [smem:$0x3F96]  }
0x1a: {  	s8 =	sadd.s32 $0xFFFFE003, lr  }
0x1b: {  	s9 =	sadd.s32 $0xFFFFFEF7, lr;
	s5 =	simm.s32 $0xFFFFFFFF;
	p2 =	slt.u32 s8, $0xFFFFF086  }
0x1c: {  	p1 =	slt.u32 s9, $0xF7A;
	s5 =	simm.s32 @!p2 $0x0  }
0x1d: {  	s5 =	simm.s32 @p1 $0x1;
	p0 =	seq.s32 s7, s2  }
0x1e: {  	s7 =	smul.u32 @!p0 $0xF7A, s2;
	p2 =	seq.s32 @!p0 s5, $0x0  }
0x1f: {  	s9 =	smul.u32 $0xF7A, s1;
	s8 =	simm.s32 @!p0 $0x1BF5;
	p2 =	por !p2, p0  }
0x20: {  	[sflag:s8] =	ssyncset.s32 @!p0 $0xFFFFF086;
	s6 =	sadd.s32 @!p0 s3, s7;
	s7 =	simm.s32 @!p0 $0x108  }
0x21: {  	s3 =	sadd.s32 s3, s9;
	s6 =	sadd.s32 @!p0 $0x88, s6;
	s7 =	simm.s32 @p2 $0x1082  }
0x22: {  	[simem:s7], [sflag:s8] =	dma.local @!p0 [hbm:s6], $0xF7A  }
0x23: {  	s9 =	sor.u32 $0xD0000000, s2;
	s6 =	simm.s32 $0x108;
	_ =	swait.ge @!p0 [sflag:s8], $0x0  }
0x24: {  	s3 =	sadd.s32 $0x88, s3;
	s6 =	simm.s32 @!p1 $0x1082;
	[sflag:s4] =	ssyncset.s32 $0xFFFFF086  }
0x25: {  	[simem:s6], [sflag:s4] =	dma.local [hbm:s3], $0xF7A  }
0x26: {  	[smem:$0x3F96] =	sst s1;
	(tag) =	ssettag s2;
	_ =	strace s9  }
0x27: {  	s1 =	sld [smem:$0x3FA6]  }
0x28: {  	s2 =	sld [smem:$0x3FA7]  }
0x29: {  	s4 =	sld [smem:$0x3FA9]  }
0x2a: {  	p0 =	seq.s32 s5, $0x0;
	s5 =	sld [smem:$0x3FAA]  }
0x2b: {  	s6 =	sld [smem:$0x3FAB]  }
0x2c: {  	s7 =	sld [smem:$0x3FAC]  }
0x2d: {  	s3 =	simm.s32 $0x108;
	s8 =	sld [smem:$0x3FAD]  }
0x2e: {  	s3 =	simm.s32 @!p0 $0x1082;
	s9 =	sld [smem:$0x3FAE]  }
0x2f: {  	lr =	sadd.s32 s0, s3;
	s0 =	sld [smem:$0x3FA5]  }
0x30: {  	s3 =	sld [smem:$0x3FA8]  }
0x31: {  	[smem:$0x3FB1] =	sst s10  }
0x32: {  	s10 =	sld [smem:$0x3FAF];
	_ =	sdelay $0x3  }
0x33: {  	p0 =	seq.s32 s10, $0x1;
	s10 =	sld [smem:$0x3FB1];
	_ =	sdelay $0x3  }
0x34: {  	[smem:$0x3FB1] =	sst s10  }
0x35: {  	s10 =	sld [smem:$0x3FB0];
	_ =	sdelay $0x3  }
0x36: {  	p1 =	seq.s32 s10, $0x1;
	s10 =	sld [smem:$0x3FB1];
	_ =	sdelay $0x3  }
0x37: {  	[smem:$0x3FB1] =	sst s10  }
0x38: {  	s10 =	sld [smem:$0x3FB2]  }
0x39: {  	_ = 	snop;
	(pc) =	sbr.ind lr, $3  }
0x3a: {  	_ = 	snop  }
0x3b: {  	_ = 	snop  }
0x3c: {  	p2 =	seq.s32 s10, $0x1;
	s10 =	sld [smem:$0x3FB1]  }
0x3d: {  	_ =	shalt  }
0x3e: {  	_ =	shalt  }
0x3f: {  	_ =	shalt  }
0x40: {  	_ =	shalt  }
0x41: {  	_ =	shalt  }
0x42: {  	_ =	shalt  }
0x43: {  	_ =	shalt  }
0x44: {  	_ =	shalt  }
0x45: {  	_ =	shalt  }
0x46: {  	_ =	shalt  }
0x47: {  	_ =	shalt  }
0x48: {  	_ =	shalt  }
0x49: {  	_ =	shalt  }
0x4a: {  	_ =	shalt  }
0x4b: {  	_ =	shalt  }
0x4c: {  	_ =	shalt  }
0x4d: {  	_ =	shalt  }
0x4e: {  	_ =	shalt  }
0x4f: {  	_ =	shalt  }
0x50: {  	_ =	shalt  }
0x51: {  	_ =	shalt  }
0x52: {  	_ =	shalt  }
0x53: {  	_ =	shalt  }
0x54: {  	_ =	shalt  }
0x55: {  	_ =	shalt  }
0x56: {  	_ =	shalt  }
0x57: {  	_ =	shalt  }
0x58: {  	_ =	shalt  }
0x59: {  	_ =	shalt  }
0x5a: {  	_ =	shalt  }
0x5b: {  	_ =	shalt  }
0x5c: {  	_ =	shalt  }
0x5d: {  	_ =	shalt  }
0x5e: {  	_ =	shalt  }
0x5f: {  	_ =	shalt  }
0x60: {  	_ =	shalt  }
0x61: {  	_ =	shalt  }
0x62: {  	_ =	shalt  }
0x63: {  	_ =	shalt  }
0x64: {  	_ =	shalt  }
0x65: {  	_ =	shalt  }
0x66: {  	_ =	shalt  }
0x67: {  	_ =	shalt  }
0x68: {  	_ =	shalt  }
0x69: {  	_ =	shalt  }
0x6a: {  	_ =	shalt  }
0x6b: {  	_ =	shalt  }
0x6c: {  	_ =	shalt  }
0x6d: {  	_ =	shalt  }
0x6e: {  	_ =	shalt  }
0x6f: {  	_ =	shalt  }
0x70: {  	_ =	shalt  }
0x71: {  	_ =	shalt  }
0x72: {  	_ =	shalt  }
0x73: {  	_ =	shalt  }
0x74: {  	_ =	shalt  }
0x75: {  	_ =	shalt  }
0x76: {  	_ =	shalt  }
0x77: {  	_ =	shalt  }
0x78: {  	_ =	shalt  }
0x79: {  	_ =	shalt  }
0x7a: {  	_ =	shalt  }
0x7b: {  	_ =	shalt  }
0x7c: {  	_ =	shalt  }
0x7d: {  	_ =	shalt  }
0x7e: {  	_ =	shalt  }
0x7f: {  	_ =	shalt  }
0x80: {  	_ =	shalt  }
0x81: {  	_ =	shalt  }
0x82: {  	_ =	shalt  }
0x83: {  	_ =	shalt  }
0x84: {  	_ =	shalt  }
0x85: {  	_ =	shalt  }
0x86: {  	_ =	shalt  }
0x87: {  	_ =	shalt  }
.Lfunc_end0:
.L_simem_size_0:
called_computation.1_lowered:
.L_overlay_start_0:
0x88: {  	s2 =	sld [smem:$0x3FD9]  }
0x89: {  	s3 =	sld [smem:$0x3FFE];
	_ =	sdelay $0x1  }
0x8a: {  	s1 =	srdreg.scid  }
0x8b: {  	s0 =	sand.u32 $0x1, s1  }
0x8c: {  	s16 =	sshll.u32 s0, $0xA;
	s2 =	sadd.s32 s3, s2  }
0x8d: {  	s2 =	sadd.s32 s2, s16  }
0x8e: {  	[smem:$0x3FBD] =	sst s2  }
0x8f: {  	_ = 	snop  }
0x90: {  	(tm) =	ssettm $0x1  }
0x91: {  	s17 =	sld [smem:$0x3FFB];
	_ =	sdelay $0x3  }
0x92: {  	_ =	strace s17  }
0x93: {  	s2 =	sld [smem:$0x3FFC];
	_ =	sdelay $0x3  }
0x94: {  	_ =	strace s2  }
0x95: {  	s2 =	sld [smem:$0x3FFD];
	_ =	sdelay $0x3  }
0x96: {  	_ =	strace s2  }
0x97: {  	_ =	strace $0x8FFFFFFF  }
0x98: {  	s18 =	sld [smem:$0x3FDB];
	_ =	sdelay $0x1  }
0x99: {  	s19 =	simm.s32 $_scs_section_size  }
0x9a: {  	s4 =	simm.s32 $_size__tile_overlayer_lowered;
	s5 =	simm.s32 $_tile_overlayer_lowered  }
0x9b: {  	s22 =	simm.s32 $0x1BFF;
	s21 =	sshll.u32 s5, $0x1;
	s2 =	sadd.s32 s19, s18  }
0x9c: {  	s6 =	simm.s32 $0x0;
	s20 =	sshll.u32 s4, $0x1;
	s4 =	sadd.s32 s21, s2  }
0x9d: {  	[timem:s6], [sflag:s22] =	dma.local [hbm:s4], s20  }
0x9e: {  	_ =	swait.ge [sflag:s22], s20  }
0x9f: {  	s3 =	ssub.s32 $0x0, s20;
	[sflag:s22] =	ssyncset.done $0x0  }
0xa0: {  	[sflag:s22] =	ssyncadd.s32 s3;
	_ =	sdelay $0x1  }
0xa1: {  	s23 =	simm.s32 $0x1B8B  }
0xa2: {  	_ =	swait.ge [sflag:s23], $0x1  }
0xa3: {  	[sflag:s23] =	ssyncset.done $0x0  }
0xa4: {  	s25 =	simm.s32 $0x1B8E;
	s24 =	sld [smem:$0x3FFE];
	[sflag:s23] =	ssyncadd.s32 $0xFFFFFFFF  }
0xa5: {  	s26 =	simm.s32 $execute0_lowered;
	[smem:$0x3FD2] =	sst s25  }
0xa6: {  	s4 =	sshll.u32 s26, $0x1;
	_ =	strace $0x80000049;
	[dreg:$0x1] =	wrdreg $0xFFFFFFFF  }
0xa7: {  	s28 =	simm.s32 $_size_execute0_lowered;
	s2 =	sadd.s32 s2, s4;
	[dreg:$0x0] =	wrdreg $0x0  }
0xa8: {  	s4 =	sshll.u32 s28, $0x1;
	[dreg:$0x2] =	wrdreg s2  }
0xa9: {  	[dreg:$0x3] =	wrdreg s4  }
0xaa: {  	[dreg:$0x4] =	wrdreg $0xC0  }
0xab: {  	_ =	task [dreg:s6], $0x5FFFF  }
0xac: {  	[dreg:$0x1] =	wrdreg $0xFFFFFFFF  }
0xad: {  	[dreg:$0x0] =	wrdreg $0x60  }
0xae: {  	[dreg:$0x2] =	wrdreg s24  }
0xaf: {  	[dreg:$0x3] =	wrdreg $0x9  }
0xb0: {  	_ =	task.clear_ibuf [dreg:s6], $0x4FFFF;
	_ =	strace $0x90000049  }
0xb1: {  	s29 =	simm.s32 $0x9;
	_ =	strace $0x8000004B  }
0xb2: {  	_ =	swait.ge [sflag:s29], $0x1  }
0xb3: {  	[sflag:s29] =	ssyncadd.s32 $0xFFFFFFFF  }
0xb4: {  	_ =	strace $0x9000004B  }
0xb5: {  	_ =	sfence  }
0xb6: {  	s30 =	sld [smem:$0x0];
	_ =	sdelay $0x2  }
0xb7: {  	s31 =	sshll.u32 s1, $0xD;
	s1 =	sshrl.u32 s1, $0x2  }
0xb8: {  	s3 =	sand.u32 $0x4000, s31;
	s1 =	sadd.s32 s1, s30  }
0xb9: {  	s0 =	sor.u32 s3, s0;
	s1 =	sshll.u32 s1, $0x11  }
0xba: {  	s0 =	sor.u32 s1, s0  }
0xbb: {  	s0 =	sadd.s32 $0x8F2B, s0  }
0xbc: {  	[sflag:s0] =	ssyncadd.remote.s32 $0x1  }
0xbd: {  	_ =	sfence.sel $0xFFFF  }
0xbe: {  	[dreg:$0x0] =	wrdreg $0xFFFFFFFF;
	(pc) =	sbr.abs _section_cstart, $3  }
0xbf: {  	[dreg:$0x1] =	wrdreg $0xFFFFFFFF  }
0xc0: {  	_ =	task.clear_ibuf [dreg:s6], $0x2FFFF;
	_ =	strace $0x9FFFFFFF  }
0xc1: {  	(tm) =	ssettm $0x7FFFFFFF  }
tec
execute0_lowered:
.L_overlay_start_1:
0x0: {  	(tag) =	ssettag $0x1  }
0x1: {  	s4 =	rddreg [dreg:$0x0]  }
0x2: {  	s0 =	rddreg [dreg:$0x1]  }
0x3: {  	s2 =	simm.s32 $0x0;
	s3 =	srdreg.scid;
	s1 =	stileid.u32  }
0x4: {  	s9 =	simm.s32 $0x1400;
	s10 =	simm.s32 $0x5400;
	s11 =	simm.s32 $0x9400  }
0x5: {  	s12 =	simm.s32 $0xD400;
	s13 =	simm.s32 $0x1;
	s14 =	simm.s32 $0x0  }
0x6: {  	s3 =	sand.u32 $0x1, s3;
	s5 =	sshll.u32 s1, $0x1;
	s6 =	smul.u32 $0x140000, s1  }
0x7: {  	[smem:$0x7FF] =	sst s2;
	s5 =	sor.u32 s3, s5;
	s7 =	smul.u32 $0xA0000, s3  }
0x8: {  	_ =	strace $0x8000004A;
	s8 =	ssub.s32 $0x2, s3;
	s5 =	smul.u32 $0x280, s5  }
0x9: {  	s3 =	sadd.s32 $0x1A00, s4;
	s31 =	sshrl.u32 s8, $0x1;
	s6 =	sadd.s32 s7, s6  }
0xa: {  	s7 =	ssub.s32 s8, s31;
	s5 =	sadd.s32 s5, s4;
	s6 =	sshrl.u32 s6, $0x3  }
0xb: {  	s8 =	simm.s32 $0x80;
	s6 =	sadd.s32 s6, s4;
	s4 =	sadd.s32 $0x611A00, s5  }
0xc: {  	s5 =	smax.u32 s7, $0x1;
	s7 =	simm.s32 $0x2;
	s6 =	sadd.s32 $0x29000, s6  }
.LBB2_1:
0xd: {  	[tilespmem:s2], [sflag:$0x2] =	stream.linear.gather [hbm4b:s4+s2], $0x1400, $0x38;
	[tilespmem:$0x11400] =	vst v63  }
0xe: {  	_ =	swait.ge [sflag:s7], $0x1400  }
0xf: {  	[sflag:s7] =	ssyncset.done $0x0  }
0x10: {  	s15 =	simm.s32 $0x0;
	[sflag:s7] =	ssyncadd.s32 $0xFFFFEC00  }
0x11: {  	[tilespmem:s9], [sflag:$0x1] =	stream.indirect.gather [hbm4b:s3+s8], $0x80, s15, s8, $0xb8;
	[tilespmem:$0x11400] =	vst v63  }
0x12: {  	s28 =	simm.s32 $0x80  }
0x13: {  	[tilespmem:s10], [sflag:$0x1] =	stream.indirect.gather [hbm4b:s3+s8], $0x80, s28, s8, $0xb8;
	[tilespmem:$0x11400] =	vst v63  }
0x14: {  	s29 =	simm.s32 $0x100  }
0x15: {  	[tilespmem:s11], [sflag:$0x1] =	stream.indirect.gather [hbm4b:s3+s8], $0x80, s29, s8, $0xb8;
	[tilespmem:$0x11400] =	vst v63  }
0x16: {  	s30 =	simm.s32 $0x180  }
0x17: {  	[tilespmem:s12], [sflag:$0x1] =	stream.indirect.gather [hbm4b:s3+s8], $0x80, s30, s8, $0xb8;
	[tilespmem:$0x11400] =	vst v63  }
0x18: {  	_ =	swait.ge [sflag:s13], $0x4000  }
0x19: {  	[sflag:s13] =	ssyncset.done $0x0  }
0x1a: {  	[sflag:s13] =	ssyncadd.s32 $0xFFFFC000  }
0x1b: {  	_ =	swait.ge [sflag:s13], $0x4000  }
0x1c: {  	[sflag:s13] =	ssyncset.done $0x0  }
0x1d: {  	[sflag:s13] =	ssyncadd.s32 $0xFFFFC000  }
0x1e: {  	_ =	swait.ge [sflag:s13], $0x4000  }
0x1f: {  	[sflag:s13] =	ssyncset.done $0x0  }
0x20: {  	[sflag:s13] =	ssyncadd.s32 $0xFFFFC000  }
0x21: {  	_ =	swait.ge [sflag:s13], $0x4000  }
0x22: {  	[sflag:s13] =	ssyncset.done $0x0  }
0x23: {  	s31 =	sadd.s32 $0x0, s6;
	[sflag:s13] =	ssyncadd.s32 $0xFFFFC000  }
0x24: {  	[hbm4b:s31+s2] =	stream.linear.scatter [tilespmem:s9], [sflag:$0x2], $0x10000, $0x38;
	[tilespmem:$0x11400] =	vst v63  }
0x25: {  	s17 =	simm.s32 $0x4000;
	_ =	swait.ge [sflag:s7], $0x10000  }
0x26: {  	s16 =	simm.s32 $0x380;
	s15 =	simm.s32 $0x2000;
	[sflag:s7] =	ssyncset.done $0x0  }
.LBB2_2:
0x27: {  	p0 =	sne.s32 s17, $0x12000;
	s18 =	sadd.s32 $0xFFFFFE80, s16;
	[sflag:s7] =	ssyncadd.s32 $0xFFFF0000  }
0x28: {  	[tilespmem:s9], [sflag:$0x1] =	stream.indirect.gather [hbm4b:s3+s8], $0x80, s18, s8, $0xb8;
	[tilespmem:$0x11400] =	vst v63  }
0x29: {  	s19 =	smov.u32 s17;
	s17 =	sadd.s32 $0x2000, s17;
	s18 =	sadd.s32 $0xFFFFFF00, s16  }
0x2a: {  	[tilespmem:s10], [sflag:$0x1] =	stream.indirect.gather [hbm4b:s3+s8], $0x80, s18, s8, $0xb8;
	[tilespmem:$0x11400] =	vst v63  }
0x2b: {  	s18 =	sadd.s32 $0xFFFFFF80, s16  }
0x2c: {  	[tilespmem:s11], [sflag:$0x1] =	stream.indirect.gather [hbm4b:s3+s8], $0x80, s18, s8, $0xb8;
	[tilespmem:$0x11400] =	vst v63  }
0x2d: {  	_ = 	snop  }
0x2e: {  	[tilespmem:s12], [sflag:$0x1] =	stream.indirect.gather [hbm4b:s3+s8], $0x80, s16, s8, $0xb8;
	[tilespmem:$0x11400] =	vst v63  }
0x2f: {  	_ =	swait.ge [sflag:s13], $0x4000  }
0x30: {  	[sflag:s13] =	ssyncset.done $0x0  }
0x31: {  	[sflag:s13] =	ssyncadd.s32 $0xFFFFC000  }
0x32: {  	_ =	swait.ge [sflag:s13], $0x4000  }
0x33: {  	[sflag:s13] =	ssyncset.done $0x0  }
0x34: {  	[sflag:s13] =	ssyncadd.s32 $0xFFFFC000  }
0x35: {  	_ =	swait.ge [sflag:s13], $0x4000  }
0x36: {  	[sflag:s13] =	ssyncset.done $0x0  }
0x37: {  	[sflag:s13] =	ssyncadd.s32 $0xFFFFC000  }
0x38: {  	_ =	swait.ge [sflag:s13], $0x4000  }
.Ltmp0:
0x39: {  	[sflag:s13] =	ssyncset.done $0x0;
	(pc) =	sbr.rel @p0 .LBB2_2-.Ltmp0, $4  }
0x3a: {  	s18 =	sadd.s32 s15, s6;
	s15 =	smov.u32 s19;
	[sflag:s13] =	ssyncadd.s32 $0xFFFFC000  }
0x3b: {  	[hbm4b:s18+s2] =	stream.linear.scatter [tilespmem:s9], [sflag:$0x2], $0x10000, $0x38;
	[tilespmem:$0x11400] =	vst v63  }
0x3c: {  	_ =	swait.ge [sflag:s7], $0x10000  }
0x3d: {  	s16 =	sadd.s32 $0x200, s16;
	[sflag:s7] =	ssyncset.done $0x0  }
0x3e: {  	s17 =	sadd.s32 $0xFFFFFE80, s16;
	[sflag:s7] =	ssyncadd.s32 $0xFFFF0000  }
0x3f: {  	[tilespmem:s9], [sflag:$0x1] =	stream.indirect.gather [hbm4b:s3+s8], $0x80, s17, s8, $0xb8;
	[tilespmem:$0x11400] =	vst v63  }
0x40: {  	s30 =	sadd.s32 $0xFFFFFF00, s16  }
0x41: {  	[tilespmem:s10], [sflag:$0x1] =	stream.indirect.gather [hbm4b:s3+s8], $0x80, s30, s8, $0xb8;
	[tilespmem:$0x11400] =	vst v63  }
0x42: {  	s31 =	sadd.s32 $0xFFFFFF80, s16  }
0x43: {  	[tilespmem:s11], [sflag:$0x1] =	stream.indirect.gather [hbm4b:s3+s8], $0x80, s31, s8, $0xb8;
	[tilespmem:$0x11400] =	vst v63  }
0x44: {  	_ = 	snop  }
0x45: {  	[tilespmem:s12], [sflag:$0x1] =	stream.indirect.gather [hbm4b:s3+s8], $0x80, s16, s8, $0xb8;
	[tilespmem:$0x11400] =	vst v63  }
0x46: {  	_ =	swait.ge [sflag:s13], $0x4000  }
0x47: {  	[sflag:s13] =	ssyncset.done $0x0  }
0x48: {  	[sflag:s13] =	ssyncadd.s32 $0xFFFFC000  }
0x49: {  	_ =	swait.ge [sflag:s13], $0x4000  }
0x4a: {  	[sflag:s13] =	ssyncset.done $0x0  }
0x4b: {  	[sflag:s13] =	ssyncadd.s32 $0xFFFFC000  }
0x4c: {  	_ =	swait.ge [sflag:s13], $0x4000  }
0x4d: {  	[sflag:s13] =	ssyncset.done $0x0  }
0x4e: {  	[sflag:s13] =	ssyncadd.s32 $0xFFFFC000  }
0x4f: {  	s14 =	sadd.s32 $0x1, s14;
	_ =	swait.ge [sflag:s13], $0x4000  }
0x50: {  	p0 =	sne.s32 s14, s5;
	[sflag:s13] =	ssyncset.done $0x0  }
.Ltmp1:
0x51: {  	s15 =	sadd.s32 s15, s6;
	[sflag:s13] =	ssyncadd.s32 $0xFFFFC000;
	(pc) =	sbr.rel @p0 .LBB2_1-.Ltmp1, $4  }
0x52: {  	[hbm4b:s15+s2] =	stream.linear.scatter [tilespmem:s9], [sflag:$0x2], $0x10000, $0x38;
	[tilespmem:$0x11400] =	vst v63  }
0x53: {  	_ =	swait.ge [sflag:s7], $0x10000  }
0x54: {  	[sflag:s7] =	ssyncset.done $0x0  }
0x55: {  	[sflag:s7] =	ssyncadd.s32 $0xFFFF0000  }
0x56: {  	_ =	sfence.sel $0x180000  }
0x57: {  	[bflag:$0x0] =	sbarrier.arrive $0xFFFF  }
0x58: {  	p0 =	sne.s32 s1, $0x0;
	_ =	strace $0x9000004A  }
0x59: {  	s0 =	sadd.s32 @!p0 $0x100000, s0;
	[bflag:$0x2] =	sbarrier.arrive $0xFFFF  }
0x5a: {  	[sflag:s0] =	ssyncadd.tile.s32 @!p0 $0x1;
	_ =	shalt  }
.Lfunc_end2:
_tile_overlayer_lowered:
.L_overlay_start_2:
0x5b: {  	(tag) =	ssettag $0x2  }
0x5c: {  	s0 =	rddreg [dreg:$0x0];
	s2 =	stileid.u32  }
0x5d: {  	s1 =	rddreg [dreg:$0x1];
	p0 =	sne.s32 s2, $0x0  }
0x5e: {  	s3 =	rddreg [dreg:$0x2];
	[bflag:$0x3] =	sbarrier.arrive $0xFFFF;
	s2 =	simm.s32 @!p0 $0x1C02  }
0x5f: {  	[timem:s3], [sflag:s2] =	dma.local @!p0 [hbm:s0], s1  }
0x60: {  	s0 =	simm.s32 @!p0 $0x2  }
0x61: {  	_ =	swait.ge @!p0 [sflag:s0], s1  }
0x62: {  	s1 =	ssub.s32 @!p0 $0x0, s1;
	[sflag:s0] =	ssyncset.done @!p0 $0x0  }
0x63: {  	[sflag:s0] =	ssyncadd.s32 @!p0 s1  }
0x64: {  	[bflag:$0x3] =	sbarrier.arrive $0xFFFF  }
0x65: {  	_ =	shalt  }

// kernel: kernel.9.cloned.1.call-start
scs
__scs_entry_jumppad:
0x0: {  	(pc) =	sbr.rel $0x88, $3  }
0x1: {  	(tag) =	ssettag $0x0;
	lr =	simm.s32 $0x1  }
0x2: {  	[smem:$0x3F96] =	sst lr;
	_ =	strace $0xD0000000  }
0x3: {  	_ = 	snop  }
0x4: {  	_ = 	snop  }
0x5: {  	_ = 	snop  }
0x6: {  	_ = 	snop  }
0x7: {  	_ = 	snop  }
__scs_overlays_trampoline_lowered:
0x8: {  	[smem:$0x3FA5] =	sst s0  }
0x9: {  	[smem:$0x3FA6] =	sst s1  }
0xa: {  	[smem:$0x3FA7] =	sst s2  }
0xb: {  	[smem:$0x3FA8] =	sst s3  }
0xc: {  	[smem:$0x3FA9] =	sst s4  }
0xd: {  	[smem:$0x3FAA] =	sst s5  }
0xe: {  	[smem:$0x3FAB] =	sst s6  }
0xf: {  	[smem:$0x3FAC] =	sst s7  }
0x10: {  	[smem:$0x3FAD] =	sst s8  }
0x11: {  	[smem:$0x3FAE] =	sst s9;
	s0 =	simm.s32 @!p0 $0x0  }
0x12: {  	s1 =	sld [smem:$0x3F94];
	s0 =	simm.s32 @p0 $0x1  }
0x13: {  	[smem:$0x3FAF] =	sst s0;
	s0 =	simm.s32 @!p1 $0x0  }
0x14: {  	s2 =	sld [smem:$0x3F93];
	s0 =	simm.s32 @p1 $0x1  }
0x15: {  	[smem:$0x3FB0] =	sst s0;
	s0 =	simm.s32 @!p2 $0x0  }
0x16: {  	s3 =	sld [smem:$0x3FDB];
	s0 =	simm.s32 @p2 $0x1  }
0x17: {  	s4 =	simm.s32 $0x1BF5;
	[smem:$0x3FB2] =	sst s0  }
0x18: {  	s0 =	sld [smem:$0x3F95];
	_ =	swait.ge [sflag:s4], $0x0  }
0x19: {  	s7 =	sld [smem:$0x3F96]  }
0x1a: {  	s8 =	sadd.s32 $0xFFFFE003, lr  }
0x1b: {  	s9 =	sadd.s32 $0xFFFFFEF7, lr;
	s5 =	simm.s32 $0xFFFFFFFF;
	p2 =	slt.u32 s8, $0xFFFFF086  }
0x1c: {  	p1 =	slt.u32 s9, $0xF7A;
	s5 =	simm.s32 @!p2 $0x0  }
0x1d: {  	s5 =	simm.s32 @p1 $0x1;
	p0 =	seq.s32 s7, s2  }
0x1e: {  	s7 =	smul.u32 @!p0 $0xF7A, s2;
	p2 =	seq.s32 @!p0 s5, $0x0  }
0x1f: {  	s9 =	smul.u32 $0xF7A, s1;
	s8 =	simm.s32 @!p0 $0x1BF5;
	p2 =	por !p2, p0  }
0x20: {  	[sflag:s8] =	ssyncset.s32 @!p0 $0xFFFFF086;
	s6 =	sadd.s32 @!p0 s3, s7;
	s7 =	simm.s32 @!p0 $0x108  }
0x21: {  	s3 =	sadd.s32 s3, s9;
	s6 =	sadd.s32 @!p0 $0x88, s6;
	s7 =	simm.s32 @p2 $0x1082  }
0x22: {  	[simem:s7], [sflag:s8] =	dma.local @!p0 [hbm:s6], $0xF7A  }
0x23: {  	s9 =	sor.u32 $0xD0000000, s2;
	s6 =	simm.s32 $0x108;
	_ =	swait.ge @!p0 [sflag:s8], $0x0  }
0x24: {  	s3 =	sadd.s32 $0x88, s3;
	s6 =	simm.s32 @!p1 $0x1082;
	[sflag:s4] =	ssyncset.s32 $0xFFFFF086  }
0x25: {  	[simem:s6], [sflag:s4] =	dma.local [hbm:s3], $0xF7A  }
0x26: {  	[smem:$0x3F96] =	sst s1;
	(tag) =	ssettag s2;
	_ =	strace s9  }
0x27: {  	s1 =	sld [smem:$0x3FA6]  }
0x28: {  	s2 =	sld [smem:$0x3FA7]  }
0x29: {  	s4 =	sld [smem:$0x3FA9]  }
0x2a: {  	p0 =	seq.s32 s5, $0x0;
	s5 =	sld [smem:$0x3FAA]  }
0x2b: {  	s6 =	sld [smem:$0x3FAB]  }
0x2c: {  	s7 =	sld [smem:$0x3FAC]  }
0x2d: {  	s3 =	simm.s32 $0x108;
	s8 =	sld [smem:$0x3FAD]  }
0x2e: {  	s3 =	simm.s32 @!p0 $0x1082;
	s9 =	sld [smem:$0x3FAE]  }
0x2f: {  	lr =	sadd.s32 s0, s3;
	s0 =	sld [smem:$0x3FA5]  }
0x30: {  	s3 =	sld [smem:$0x3FA8]  }
0x31: {  	[smem:$0x3FB1] =	sst s10  }
0x32: {  	s10 =	sld [smem:$0x3FAF];
	_ =	sdelay $0x3  }
0x33: {  	p0 =	seq.s32 s10, $0x1;
	s10 =	sld [smem:$0x3FB1];
	_ =	sdelay $0x3  }
0x34: {  	[smem:$0x3FB1] =	sst s10  }
0x35: {  	s10 =	sld [smem:$0x3FB0];
	_ =	sdelay $0x3  }
0x36: {  	p1 =	seq.s32 s10, $0x1;
	s10 =	sld [smem:$0x3FB1];
	_ =	sdelay $0x3  }
0x37: {  	[smem:$0x3FB1] =	sst s10  }
0x38: {  	s10 =	sld [smem:$0x3FB2]  }
0x39: {  	_ = 	snop;
	(pc) =	sbr.ind lr, $3  }
0x3a: {  	_ = 	snop  }
0x3b: {  	_ = 	snop  }
0x3c: {  	p2 =	seq.s32 s10, $0x1;
	s10 =	sld [smem:$0x3FB1]  }
0x3d: {  	_ =	shalt  }
0x3e: {  	_ =	shalt  }
0x3f: {  	_ =	shalt  }
0x40: {  	_ =	shalt  }
0x41: {  	_ =	shalt  }
0x42: {  	_ =	shalt  }
0x43: {  	_ =	shalt  }
0x44: {  	_ =	shalt  }
0x45: {  	_ =	shalt  }
0x46: {  	_ =	shalt  }
0x47: {  	_ =	shalt  }
0x48: {  	_ =	shalt  }
0x49: {  	_ =	shalt  }
0x4a: {  	_ =	shalt  }
0x4b: {  	_ =	shalt  }
0x4c: {  	_ =	shalt  }
0x4d: {  	_ =	shalt  }
0x4e: {  	_ =	shalt  }
0x4f: {  	_ =	shalt  }
0x50: {  	_ =	shalt  }
0x51: {  	_ =	shalt  }
0x52: {  	_ =	shalt  }
0x53: {  	_ =	shalt  }
0x54: {  	_ =	shalt  }
0x55: {  	_ =	shalt  }
0x56: {  	_ =	shalt  }
0x57: {  	_ =	shalt  }
0x58: {  	_ =	shalt  }
0x59: {  	_ =	shalt  }
0x5a: {  	_ =	shalt  }
0x5b: {  	_ =	shalt  }
0x5c: {  	_ =	shalt  }
0x5d: {  	_ =	shalt  }
0x5e: {  	_ =	shalt  }
0x5f: {  	_ =	shalt  }
0x60: {  	_ =	shalt  }
0x61: {  	_ =	shalt  }
0x62: {  	_ =	shalt  }
0x63: {  	_ =	shalt  }
0x64: {  	_ =	shalt  }
0x65: {  	_ =	shalt  }
0x66: {  	_ =	shalt  }
0x67: {  	_ =	shalt  }
0x68: {  	_ =	shalt  }
0x69: {  	_ =	shalt  }
0x6a: {  	_ =	shalt  }
0x6b: {  	_ =	shalt  }
0x6c: {  	_ =	shalt  }
0x6d: {  	_ =	shalt  }
0x6e: {  	_ =	shalt  }
0x6f: {  	_ =	shalt  }
0x70: {  	_ =	shalt  }
0x71: {  	_ =	shalt  }
0x72: {  	_ =	shalt  }
0x73: {  	_ =	shalt  }
0x74: {  	_ =	shalt  }
0x75: {  	_ =	shalt  }
0x76: {  	_ =	shalt  }
0x77: {  	_ =	shalt  }
0x78: {  	_ =	shalt  }
0x79: {  	_ =	shalt  }
0x7a: {  	_ =	shalt  }
0x7b: {  	_ =	shalt  }
0x7c: {  	_ =	shalt  }
0x7d: {  	_ =	shalt  }
0x7e: {  	_ =	shalt  }
0x7f: {  	_ =	shalt  }
0x80: {  	_ =	shalt  }
0x81: {  	_ =	shalt  }
0x82: {  	_ =	shalt  }
0x83: {  	_ =	shalt  }
0x84: {  	_ =	shalt  }
0x85: {  	_ =	shalt  }
0x86: {  	_ =	shalt  }
0x87: {  	_ =	shalt  }
.Lfunc_end0:
.L_simem_size_0:
called_computation_lowered:
.L_overlay_start_0:
0x88: {  	s2 =	sld [smem:$0x3FD9]  }
0x89: {  	s3 =	sld [smem:$0x3FFE];
	_ =	sdelay $0x1  }
0x8a: {  	s1 =	srdreg.scid  }
0x8b: {  	s0 =	sand.u32 $0x1, s1  }
0x8c: {  	s16 =	sshll.u32 s0, $0xA;
	s2 =	sadd.s32 s3, s2  }
0x8d: {  	s2 =	sadd.s32 s2, s16  }
0x8e: {  	[smem:$0x3FBD] =	sst s2  }
0x8f: {  	_ = 	snop  }
0x90: {  	(tm) =	ssettm $0x1  }
0x91: {  	s17 =	sld [smem:$0x3FFB];
	_ =	sdelay $0x3  }
0x92: {  	_ =	strace s17  }
0x93: {  	s2 =	sld [smem:$0x3FFC];
	_ =	sdelay $0x3  }
0x94: {  	_ =	strace s2  }
0x95: {  	s2 =	sld [smem:$0x3FFD];
	_ =	sdelay $0x3  }
0x96: {  	_ =	strace s2  }
0x97: {  	_ =	strace $0x8FFFFFFF  }
0x98: {  	s18 =	sld [smem:$0x3FDB];
	_ =	sdelay $0x1  }
0x99: {  	s19 =	simm.s32 $_scs_section_size  }
0x9a: {  	s4 =	simm.s32 $_size__tile_overlayer_lowered;
	s5 =	simm.s32 $_tile_overlayer_lowered  }
0x9b: {  	s22 =	simm.s32 $0x1BFF;
	s21 =	sshll.u32 s5, $0x1;
	s2 =	sadd.s32 s19, s18  }
0x9c: {  	s6 =	simm.s32 $0x0;
	s20 =	sshll.u32 s4, $0x1;
	s4 =	sadd.s32 s21, s2  }
0x9d: {  	[timem:s6], [sflag:s22] =	dma.local [hbm:s4], s20  }
0x9e: {  	_ =	swait.ge [sflag:s22], s20  }
0x9f: {  	s3 =	ssub.s32 $0x0, s20;
	[sflag:s22] =	ssyncset.done $0x0  }
0xa0: {  	[sflag:s22] =	ssyncadd.s32 s3;
	_ =	sdelay $0x1  }
0xa1: {  	s23 =	simm.s32 $0x1B8B  }
0xa2: {  	_ =	swait.ge [sflag:s23], $0x1  }
0xa3: {  	[sflag:s23] =	ssyncset.done $0x0  }
0xa4: {  	s25 =	simm.s32 $0x1B8E;
	s24 =	sld [smem:$0x3FFE];
	[sflag:s23] =	ssyncadd.s32 $0xFFFFFFFF  }
0xa5: {  	s26 =	simm.s32 $execute0_lowered;
	[smem:$0x3FD2] =	sst s25  }
0xa6: {  	s4 =	sshll.u32 s26, $0x1;
	_ =	strace $0x80000046;
	[dreg:$0x1] =	wrdreg $0xFFFFFFFF  }
0xa7: {  	s28 =	simm.s32 $_size_execute0_lowered;
	s2 =	sadd.s32 s2, s4;
	[dreg:$0x0] =	wrdreg $0x0  }
0xa8: {  	s4 =	sshll.u32 s28, $0x1;
	[dreg:$0x2] =	wrdreg s2  }
0xa9: {  	[dreg:$0x3] =	wrdreg s4  }
0xaa: {  	[dreg:$0x4] =	wrdreg $0xC0  }
0xab: {  	_ =	task [dreg:s6], $0x5FFFF  }
0xac: {  	[dreg:$0x1] =	wrdreg $0xFFFFFFFF  }
0xad: {  	[dreg:$0x0] =	wrdreg $0x60  }
0xae: {  	[dreg:$0x2] =	wrdreg s24  }
0xaf: {  	[dreg:$0x3] =	wrdreg $0x9  }
0xb0: {  	_ =	task.clear_ibuf [dreg:s6], $0x4FFFF;
	_ =	strace $0x90000046  }
0xb1: {  	s29 =	simm.s32 $0x9;
	_ =	strace $0x80000048  }
0xb2: {  	_ =	swait.ge [sflag:s29], $0x1  }
0xb3: {  	[sflag:s29] =	ssyncadd.s32 $0xFFFFFFFF  }
0xb4: {  	_ =	strace $0x90000048  }
0xb5: {  	_ =	sfence  }
0xb6: {  	s30 =	sld [smem:$0x0];
	_ =	sdelay $0x2  }
0xb7: {  	s31 =	sshll.u32 s1, $0xD;
	s1 =	sshrl.u32 s1, $0x2  }
0xb8: {  	s3 =	sand.u32 $0x4000, s31;
	s1 =	sadd.s32 s1, s30  }
0xb9: {  	s0 =	sor.u32 s3, s0;
	s1 =	sshll.u32 s1, $0x11  }
0xba: {  	s0 =	sor.u32 s1, s0  }
0xbb: {  	s0 =	sadd.s32 $0x8F2B, s0  }
0xbc: {  	[sflag:s0] =	ssyncadd.remote.s32 $0x1  }
0xbd: {  	_ =	sfence.sel $0xFFFF  }
0xbe: {  	[dreg:$0x0] =	wrdreg $0xFFFFFFFF;
	(pc) =	sbr.abs _section_cstart, $3  }
0xbf: {  	[dreg:$0x1] =	wrdreg $0xFFFFFFFF  }
0xc0: {  	_ =	task.clear_ibuf [dreg:s6], $0x2FFFF;
	_ =	strace $0x9FFFFFFF  }
0xc1: {  	(tm) =	ssettm $0x7FFFFFFF  }
tec
execute0_lowered:
.L_overlay_start_1:
0x0: {  	(tag) =	ssettag $0x1  }
0x1: {  	s1 =	srdreg.scid  }
0x2: {  	s0 =	stileid.u32;
	s5 =	rddreg [dreg:$0x0];
	s2 =	simm.s32 $0x0  }
0x3: {  	s11 =	simm.s32 $0x7000;
	s12 =	simm.s32 $0x9000;
	s13 =	simm.s32 $0xB000  }
0x4: {  	s14 =	simm.s32 $0x1;
	s15 =	simm.s32 $0x4E00;
	s16 =	simm.s32 $0x0  }
0x5: {  	s4 =	sand.u32 $0x1, s1;
	s28 =	sshll.u32 s0, $0x1;
	s1 =	rddreg [dreg:$0x1]  }
0x6: {  	[smem:$0x7FF] =	sst s2;
	s8 =	smul.u32 $0x274000, s0;
	s10 =	sadd.s32 $0x64200, s5  }
0x7: {  	s3 =	sor.u32 s4, s28;
	s9 =	ssub.s32 $0x2, s4;
	s4 =	smul.u32 $0x13A000, s4  }
0x8: {  	_ =	strace $0x80000047;
	s6 =	smul.u32 $0xA00, s3;
	s29 =	sshrl.u32 s9, $0x1  }
0x9: {  	s7 =	smul.u32 $0x13A000, s3;
	s3 =	sadd.s32 $0x1A00, s5;
	s9 =	ssub.s32 s9, s29  }
0xa: {  	s31 =	sadd.s32 s4, s8;
	s8 =	simm.s32 $0x2;
	s6 =	sadd.s32 s6, s5  }
0xb: {  	s30 =	sshrl.u32 s7, $0x3;
	s7 =	sshrl.u32 s31, $0x3;
	s4 =	sadd.s32 $0x50200, s6  }
0xc: {  	s5 =	sadd.s32 s10, s30;
	s6 =	smax.u32 s9, $0x1;
	s7 =	sadd.s32 s7, s10  }
0xd: {  	s9 =	simm.s32 $0x80;
	s10 =	simm.s32 $0x5000;
	s5 =	sadd.s32 $0x27000, s5  }
.LBB2_1:
0xe: {  	[tilespmem:s2], [sflag:$0x2] =	stream.linear.gather [hbm4b:s4+s2], $0x5000, $0x38;
	[tilespmem:$0xD000] =	vst v63  }
0xf: {  	_ =	swait.ge [sflag:s8], $0x5000  }
0x10: {  	[sflag:s8] =	ssyncset.done $0x0  }
0x11: {  	s17 =	simm.s32 $0x0;
	[sflag:s8] =	ssyncadd.s32 $0xFFFFB000  }
0x12: {  	[tilespmem:s10], [sflag:$0x1] =	stream.indirect.gather [hbm4b:s3+s9], $0x40, s17, s9, $0xb8;
	[tilespmem:$0xD000] =	vst v63  }
0x13: {  	s28 =	simm.s32 $0x80  }
0x14: {  	[tilespmem:s11], [sflag:$0x1] =	stream.indirect.gather [hbm4b:s3+s9], $0x40, s28, s9, $0xb8;
	[tilespmem:$0xD000] =	vst v63  }
0x15: {  	s29 =	simm.s32 $0x100  }
0x16: {  	[tilespmem:s12], [sflag:$0x1] =	stream.indirect.gather [hbm4b:s3+s9], $0x40, s29, s9, $0xb8;
	[tilespmem:$0xD000] =	vst v63  }
0x17: {  	s30 =	simm.s32 $0x180  }
0x18: {  	[tilespmem:s13], [sflag:$0x1] =	stream.indirect.gather [hbm4b:s3+s9], $0x40, s30, s9, $0xb8;
	[tilespmem:$0xD000] =	vst v63  }
0x19: {  	_ =	swait.ge [sflag:s14], $0x2000  }
0x1a: {  	[sflag:s14] =	ssyncset.done $0x0  }
0x1b: {  	[sflag:s14] =	ssyncadd.s32 $0xFFFFE000  }
0x1c: {  	_ =	swait.ge [sflag:s14], $0x2000  }
0x1d: {  	[sflag:s14] =	ssyncset.done $0x0  }
0x1e: {  	[sflag:s14] =	ssyncadd.s32 $0xFFFFE000  }
0x1f: {  	_ =	swait.ge [sflag:s14], $0x2000  }
0x20: {  	[sflag:s14] =	ssyncset.done $0x0  }
0x21: {  	[sflag:s14] =	ssyncadd.s32 $0xFFFFE000  }
0x22: {  	_ =	swait.ge [sflag:s14], $0x2000  }
0x23: {  	[sflag:s14] =	ssyncset.done $0x0  }
0x24: {  	s31 =	sadd.s32 $0x0, s7;
	[sflag:s14] =	ssyncadd.s32 $0xFFFFE000  }
0x25: {  	[hbm4b:s31+s2] =	stream.linear.scatter [tilespmem:s10], [sflag:$0x2], $0x8000, $0x38;
	[tilespmem:$0xD000] =	vst v63  }
0x26: {  	s19 =	simm.s32 $0x2000;
	_ =	swait.ge [sflag:s8], $0x8000  }
0x27: {  	s18 =	simm.s32 $0x380;
	s17 =	simm.s32 $0x1000;
	[sflag:s8] =	ssyncset.done $0x0  }
.LBB2_2:
0x28: {  	p0 =	sne.s32 s19, $0x26000;
	s20 =	sadd.s32 $0xFFFFFE80, s18;
	[sflag:s8] =	ssyncadd.s32 $0xFFFF8000  }
0x29: {  	[tilespmem:s10], [sflag:$0x1] =	stream.indirect.gather [hbm4b:s3+s9], $0x40, s20, s9, $0xb8;
	[tilespmem:$0xD000] =	vst v63  }
0x2a: {  	s21 =	smov.u32 s19;
	s19 =	sadd.s32 $0x1000, s19;
	s20 =	sadd.s32 $0xFFFFFF00, s18  }
0x2b: {  	[tilespmem:s11], [sflag:$0x1] =	stream.indirect.gather [hbm4b:s3+s9], $0x40, s20, s9, $0xb8;
	[tilespmem:$0xD000] =	vst v63  }
0x2c: {  	s20 =	sadd.s32 $0xFFFFFF80, s18  }
0x2d: {  	[tilespmem:s12], [sflag:$0x1] =	stream.indirect.gather [hbm4b:s3+s9], $0x40, s20, s9, $0xb8;
	[tilespmem:$0xD000] =	vst v63  }
0x2e: {  	_ = 	snop  }
0x2f: {  	[tilespmem:s13], [sflag:$0x1] =	stream.indirect.gather [hbm4b:s3+s9], $0x40, s18, s9, $0xb8;
	[tilespmem:$0xD000] =	vst v63  }
0x30: {  	_ =	swait.ge [sflag:s14], $0x2000  }
0x31: {  	[sflag:s14] =	ssyncset.done $0x0  }
0x32: {  	[sflag:s14] =	ssyncadd.s32 $0xFFFFE000  }
0x33: {  	_ =	swait.ge [sflag:s14], $0x2000  }
0x34: {  	[sflag:s14] =	ssyncset.done $0x0  }
0x35: {  	[sflag:s14] =	ssyncadd.s32 $0xFFFFE000  }
0x36: {  	_ =	swait.ge [sflag:s14], $0x2000  }
0x37: {  	[sflag:s14] =	ssyncset.done $0x0  }
0x38: {  	[sflag:s14] =	ssyncadd.s32 $0xFFFFE000  }
0x39: {  	_ =	swait.ge [sflag:s14], $0x2000  }
.Ltmp0:
0x3a: {  	[sflag:s14] =	ssyncset.done $0x0;
	(pc) =	sbr.rel @p0 .LBB2_2-.Ltmp0, $4  }
0x3b: {  	s20 =	sadd.s32 s17, s7;
	s17 =	smov.u32 s21;
	[sflag:s14] =	ssyncadd.s32 $0xFFFFE000  }
0x3c: {  	[hbm4b:s20+s2] =	stream.linear.scatter [tilespmem:s10], [sflag:$0x2], $0x8000, $0x38;
	[tilespmem:$0xD000] =	vst v63  }
0x3d: {  	_ =	swait.ge [sflag:s8], $0x8000  }
0x3e: {  	s18 =	sadd.s32 $0x200, s18;
	[sflag:s8] =	ssyncset.done $0x0  }
0x3f: {  	s19 =	sadd.s32 $0xFFFFFE80, s18;
	[sflag:s8] =	ssyncadd.s32 $0xFFFF8000  }
0x40: {  	[tilespmem:s10], [sflag:$0x1] =	stream.indirect.gather [hbm4b:s3+s9], $0x40, s19, s9, $0xb8;
	[tilespmem:$0xD000] =	vst v63  }
0x41: {  	s30 =	sadd.s32 $0xFFFFFF00, s18  }
0x42: {  	[tilespmem:s11], [sflag:$0x1] =	stream.indirect.gather [hbm4b:s3+s9], $0x40, s30, s9, $0xb8;
	[tilespmem:$0xD000] =	vst v63  }
0x43: {  	s31 =	sadd.s32 $0xFFFFFF80, s18  }
0x44: {  	[tilespmem:s12], [sflag:$0x1] =	stream.indirect.gather [hbm4b:s3+s9], $0x40, s31, s9, $0xb8;
	[tilespmem:$0xD000] =	vst v63  }
0x45: {  	_ = 	snop  }
0x46: {  	[tilespmem:s13], [sflag:$0x1] =	stream.indirect.gather [hbm4b:s3+s9], $0x40, s18, s9, $0xb8;
	[tilespmem:$0xD000] =	vst v63  }
0x47: {  	_ =	swait.ge [sflag:s14], $0x2000  }
0x48: {  	[sflag:s14] =	ssyncset.done $0x0  }
0x49: {  	[sflag:s14] =	ssyncadd.s32 $0xFFFFE000  }
0x4a: {  	_ =	swait.ge [sflag:s14], $0x2000  }
0x4b: {  	[sflag:s14] =	ssyncset.done $0x0  }
0x4c: {  	[sflag:s14] =	ssyncadd.s32 $0xFFFFE000  }
0x4d: {  	_ =	swait.ge [sflag:s14], $0x2000  }
0x4e: {  	[sflag:s14] =	ssyncset.done $0x0  }
0x4f: {  	[sflag:s14] =	ssyncadd.s32 $0xFFFFE000  }
0x50: {  	_ =	swait.ge [sflag:s14], $0x2000  }
0x51: {  	[sflag:s14] =	ssyncset.done $0x0  }
0x52: {  	s17 =	sadd.s32 s17, s7;
	[sflag:s14] =	ssyncadd.s32 $0xFFFFE000  }
0x53: {  	[hbm4b:s17+s2] =	stream.linear.scatter [tilespmem:s10], [sflag:$0x2], $0x8000, $0x38;
	[tilespmem:$0xD000] =	vst v63  }
0x54: {  	_ =	swait.ge [sflag:s8], $0x8000  }
0x55: {  	[sflag:s8] =	ssyncset.done $0x0  }
0x56: {  	[sflag:s8] =	ssyncadd.s32 $0xFFFF8000  }
0x57: {  	[tilespmem:s10], [sflag:$0x1] =	stream.indirect.gather [hbm4b:s3+s9], $0x40, s15, s9, $0xb8;
	[tilespmem:$0xD000] =	vst v63  }
0x58: {  	s16 =	sadd.s32 $0x1, s16;
	_ =	swait.ge [sflag:s14], $0x2000  }
0x59: {  	p0 =	sne.s32 s16, s6;
	[sflag:s14] =	ssyncset.done $0x0  }
.Ltmp1:
0x5a: {  	[sflag:s14] =	ssyncadd.s32 $0xFFFFE000;
	(pc) =	sbr.rel @p0 .LBB2_1-.Ltmp1, $4  }
0x5b: {  	[hbm4b:s5+s2] =	stream.linear.scatter [tilespmem:s10], [sflag:$0x2], $0x2000, $0x38;
	[tilespmem:$0xD000] =	vst v63  }
0x5c: {  	_ =	swait.ge [sflag:s8], $0x2000  }
0x5d: {  	[sflag:s8] =	ssyncset.done $0x0  }
0x5e: {  	[sflag:s8] =	ssyncadd.s32 $0xFFFFE000  }
0x5f: {  	_ =	sfence.sel $0x180000  }
0x60: {  	[bflag:$0x0] =	sbarrier.arrive $0xFFFF  }
0x61: {  	p0 =	sne.s32 s0, $0x0;
	_ =	strace $0x90000047  }
0x62: {  	s0 =	sadd.s32 @!p0 $0x100000, s1;
	[bflag:$0x2] =	sbarrier.arrive $0xFFFF  }
0x63: {  	[sflag:s0] =	ssyncadd.tile.s32 @!p0 $0x1;
	_ =	shalt  }
.Lfunc_end2:
_tile_overlayer_lowered:
.L_overlay_start_2:
0x64: {  	(tag) =	ssettag $0x2  }
0x65: {  	s0 =	rddreg [dreg:$0x0];
	s2 =	stileid.u32  }
0x66: {  	s1 =	rddreg [dreg:$0x1];
	p0 =	sne.s32 s2, $0x0  }
0x67: {  	s3 =	rddreg [dreg:$0x2];
	[bflag:$0x3] =	sbarrier.arrive $0xFFFF;
	s2 =	simm.s32 @!p0 $0x1C02  }
0x68: {  	[timem:s3], [sflag:s2] =	dma.local @!p0 [hbm:s0], s1  }
0x69: {  	s0 =	simm.s32 @!p0 $0x2  }
0x6a: {  	_ =	swait.ge @!p0 [sflag:s0], s1  }
0x6b: {  	s1 =	ssub.s32 @!p0 $0x0, s1;
	[sflag:s0] =	ssyncset.done @!p0 $0x0  }
0x6c: {  	[sflag:s0] =	ssyncadd.s32 @!p0 s1  }
0x6d: {  	[bflag:$0x3] =	sbarrier.arrive $0xFFFF  }
0x6e: {  	_ =	shalt  }

</sc_bundles>
